<compile_context>
chip_gen: v7x
topology: tpu7x:2x2x1
jax: 0.10.2.dev20260603
libtpu: 0.0.44.dev20260713+nightly
codegen_flags: <defaults>
</compile_context>

<pallas_src>
import functools

import jax
import jax.numpy as jnp
from jax import lax
from jax.experimental import pallas as pl
from jax.experimental.pallas import tpu as pltpu
from jax.experimental.pallas import tpu_sc as plsc

N = 10000
D = 128
H = D // 2
E = 320000
NEG_SLOPE = 0.01

NC = 2
NS = 16
NW = NC * NS

WIN = 128

NWIN_D = -(-E // (NW * WIN))
EP_D = NW * NWIN_D * WIN
DR_D = 240
NP_D = N + DR_D
ZR_D = NP_D // NS

NWIN = -(-E // (NS * WIN))
EP = NS * NWIN * WIN
DR = 112
NP = N + DR
ZR = NP // NS

_mesh = plsc.VectorSubcoreMesh(core_axis_name="c", subcore_axis_name="s")


@functools.partial(
    pl.kernel,
    out_type=jax.ShapeDtypeStruct((NC, NP_D), jnp.float32),
    mesh=_mesh,
    scratch_types=[
        pltpu.VMEM((NWIN_D, WIN), jnp.int32),
        pltpu.VMEM((WIN,), jnp.float32),
        pltpu.VMEM_SHARED((NP_D,), jnp.float32),
    ],
)
def _deg_kernel(dst_hbm, zeros_hbm, out_hbm, idx_v, ones_v, acc):
    cid = lax.axis_index("c")
    sid = lax.axis_index("s")
    wid = sid * NC + cid
    pltpu.sync_copy(zeros_hbm, acc.at[pl.ds(sid * ZR_D, ZR_D)])
    for i in range(WIN // 16):
        ones_v[pl.ds(i * 16, 16)] = jnp.ones((16,), jnp.float32)
    pltpu.sync_copy(dst_hbm.at[wid], idx_v)
    plsc.subcore_barrier()

    def body(j, carry):
        pltpu.sync_copy(ones_v, acc.at[idx_v.at[j]], add=True)
        return carry

    lax.fori_loop(0, NWIN_D, body, 0)
    plsc.subcore_barrier()
    pltpu.sync_copy(acc.at[pl.ds(sid * ZR_D, ZR_D)], out_hbm.at[cid, pl.ds(sid * ZR_D, ZR_D)])


NB = 6
GAH = 5
SDR = 1


@functools.partial(
    pl.kernel,
    out_type=jax.ShapeDtypeStruct((NC, NP, H), jnp.float32),
    mesh=_mesh,
    scratch_types=[
        pltpu.VMEM((NWIN, WIN), jnp.int32),
        pltpu.VMEM((NWIN, WIN), jnp.int32),
        pltpu.VMEM((NB, WIN, H), jnp.float32),
        pltpu.VMEM_SHARED((NP, H), jnp.float32),
        pltpu.SemaphoreType.DMA((NB,)),
        pltpu.SemaphoreType.DMA((NB,)),
    ],
    compiler_params=pltpu.CompilerParams(use_tc_tiling_on_sc=False),
)
def _agg_kernel(y_hbm, src_hbm, dst_hbm, zeros_hbm, out_hbm, src_v, dst_v,
                rows_v, acc, gsem, ssem):
    cid = lax.axis_index("c")
    sid = lax.axis_index("s")

    def gather(j):
        b = j % NB
        return pltpu.make_async_copy(y_hbm.at[src_v.at[j]], rows_v.at[b],
                                     gsem.at[b])

    def scatter(j):
        b = j % NB
        return pltpu.make_async_copy(rows_v.at[b], acc.at[dst_v.at[j]],
                                     ssem.at[b])

    pltpu.sync_copy(zeros_hbm, acc.at[pl.ds(sid * ZR, ZR)])
    pltpu.sync_copy(src_hbm.at[cid, sid], src_v)
    pltpu.sync_copy(dst_hbm.at[sid], dst_v)
    plsc.subcore_barrier()

    for j in range(GAH):
        gather(j).start()

    def body(j, carry):
        @pl.when(j >= SDR)
        def _():
            scatter(j - SDR).wait()

        gather(j).wait()
        scatter(j).start(add=True)

        @pl.when(j + GAH < NWIN)
        def _():
            gather(j + GAH).start()

        return carry

    lax.fori_loop(0, NWIN, body, 0)
    for j in range(NWIN - SDR, NWIN):
        scatter(j).wait()
    plsc.subcore_barrier()
    pltpu.sync_copy(acc.at[pl.ds(sid * ZR, ZR)], out_hbm.at[cid, pl.ds(sid * ZR, ZR)])


def _lrelu(t):
    return jnp.where(t >= 0, t, NEG_SLOPE * t)


RB = 1000


def _tca_body(p_ref, x_ref, w1_ref, y1_ref, dis_ref):
    dis = lax.rsqrt(p_ref[...] + 1.0)
    xw = jnp.dot(x_ref[...], w1_ref[...], preferred_element_type=jnp.float32)
    y1_ref[...] = dis * xw
    dis_ref[...] = dis


def _tcb_body(agg_ref, y1_ref, dis_ref, b1_ref, w2_ref, h1_ref, y2_ref):
    dis = dis_ref[...]
    agg = jnp.concatenate([agg_ref[0], agg_ref[1]], axis=1)
    out1 = dis * (agg + y1_ref[...]) + b1_ref[...]
    h1 = _lrelu(out1)
    h1_ref[...] = h1
    y2_ref[...] = dis * jnp.dot(h1, w2_ref[...], preferred_element_type=jnp.float32)


def _tcc_body(agg_ref, y2_ref, h1_ref, dis_ref, b2_ref, wm1_ref, bm1_ref,
              wm2_ref, bm2_ref, out_ref):
    dis = dis_ref[...]
    agg = jnp.concatenate([agg_ref[0], agg_ref[1]], axis=1)
    g = dis * (agg + y2_ref[...]) + b2_ref[...]
    t = _lrelu(g + h1_ref[...])
    u = _lrelu(jnp.dot(t, wm1_ref[...], preferred_element_type=jnp.float32) + bm1_ref[...])
    mlp = jnp.dot(u, wm2_ref[...], preferred_element_type=jnp.float32) + bm2_ref[...]
    out_ref[...] = _lrelu(mlp + t)


def _row_spec(w):
    return pl.BlockSpec((RB, w), lambda i: (i, 0))


def _full_spec(shape):
    return pl.BlockSpec(shape, lambda i: (0,) * len(shape))


_GRID = N // RB

_tca = pl.pallas_call(
    _tca_body,
    grid=(_GRID,),
    in_specs=[_row_spec(1), _row_spec(D), _full_spec((D, D))],
    out_specs=[_row_spec(D), _row_spec(1)],
    out_shape=[
        jax.ShapeDtypeStruct((N, D), jnp.float32),
        jax.ShapeDtypeStruct((N, 1), jnp.float32),
    ],
)

_tcb = pl.pallas_call(
    _tcb_body,
    grid=(_GRID,),
    in_specs=[
        pl.BlockSpec((NC, RB, H), lambda i: (0, i, 0)),
        _row_spec(D), _row_spec(1), _full_spec((1, D)), _full_spec((D, D)),
    ],
    out_specs=[_row_spec(D), _row_spec(D)],
    out_shape=[
        jax.ShapeDtypeStruct((N, D), jnp.float32),
        jax.ShapeDtypeStruct((N, D), jnp.float32),
    ],
)

_tcc = pl.pallas_call(
    _tcc_body,
    grid=(_GRID,),
    in_specs=[
        pl.BlockSpec((NC, RB, H), lambda i: (0, i, 0)),
        _row_spec(D), _row_spec(D), _row_spec(1),
        _full_spec((1, D)), _full_spec((D, D)), _full_spec((1, D)),
        _full_spec((D, D)), _full_spec((1, D)),
    ],
    out_specs=_row_spec(D),
    out_shape=jax.ShapeDtypeStruct((N, D), jnp.float32),
)


def kernel(x, edge_index, W1, b1, W2, b2, Wm1, bm1, Wm2, bm2):
    ei = edge_index.astype(jnp.int32)

    pad_d = jnp.arange(EP_D - E, dtype=jnp.int32)
    dst_d = jnp.concatenate([ei[1], N + pad_d % DR_D]).reshape(NW, NWIN_D, WIN)

    pad_a = jnp.arange(EP - E, dtype=jnp.int32)
    src_p = jnp.concatenate([ei[0], pad_a % N])
    dst_p = jnp.concatenate([ei[1], N + pad_a % DR]).reshape(NS, NWIN, WIN)
    src2 = 2 * src_p
    src_c = jnp.stack([src2, src2 + 1]).reshape(NC, NS, NWIN, WIN)

    zeros1 = jnp.zeros((ZR_D,), jnp.float32)
    zeros2 = jnp.zeros((ZR, H), jnp.float32)

    deg_parts = _deg_kernel(dst_d, zeros1)
    p = (deg_parts[0, :N] + deg_parts[1, :N])[:, None]

    y1, dis = _tca(p, x, W1)
    agg1 = _agg_kernel(y1.reshape(2 * N, H), src_c, dst_p, zeros2)[:, :N]
    h1, y2 = _tcb(agg1, y1, dis, b1.reshape(1, D), W2)
    agg2 = _agg_kernel(y2.reshape(2 * N, H), src_c, dst_p, zeros2)[:, :N]
    out = _tcc(agg2, y2, h1, dis, b2.reshape(1, D), Wm1, bm1.reshape(1, D),
               Wm2, bm2.reshape(1, D))
    return out

# --- scband reference (transcript-rebuilt; emitter-appended) ---
"""Pipeline reference for scband-graph-encoder4-link-68771016343679 (READ-ONLY COPY).

The authoritative reference and input builder live on the scoring server;
editing this copy changes nothing except your own understanding.
"""

import jax, jax.numpy as jnp
import numpy as np

N = 10000
D = 128
E = 320000
NEG_SLOPE = 0.01

def gcn_conv(x, edge_index, W, b):
    # PyG GCNConv: add self-loops, symmetric deg normalization, x @ W, scatter-add at dst, + bias
    loop = jnp.arange(N, dtype=edge_index.dtype)
    src = jnp.concatenate([edge_index[0], loop])
    dst = jnp.concatenate([edge_index[1], loop])
    deg = jnp.zeros((N,), dtype=x.dtype).at[dst].add(1.0)
    deg_inv_sqrt = jnp.where(deg > 0, deg ** -0.5, 0.0)
    norm = deg_inv_sqrt[src] * deg_inv_sqrt[dst]
    xw = x @ W
    msgs = norm[:, None] * jnp.take(xw, src, axis=0)
    out = jnp.zeros((N, W.shape[1]), dtype=x.dtype).at[dst].add(msgs)
    return out + b

def setup_inputs(seed: int = 0) -> dict:
    key = jax.random.key(seed)
    ks = jax.random.split(key, 12)
    x = jax.random.normal(ks[0], (N, D), dtype=jnp.float32)
    edge_index = jax.random.randint(ks[1], (2, E), 0, N, dtype=jnp.int64)
    def glorot(k, shape):
        lim = (6.0 / (shape[0] + shape[1])) ** 0.5
        return jax.random.uniform(k, shape, jnp.float32, -lim, lim)
    def kaiming(k, shape):
        std = (2.0 / shape[0]) ** 0.5
        return jax.random.normal(k, shape, jnp.float32) * std
    return {
        'x': x,
        'edge_index': edge_index,
        'W1': glorot(ks[2], (D, D)), 'b1': jnp.zeros((D,), jnp.float32),
        'W2': glorot(ks[3], (D, D)), 'b2': jnp.zeros((D,), jnp.float32),
        'Wm1': kaiming(ks[4], (D, D)), 'bm1': jnp.zeros((D,), jnp.float32),
        'Wm2': kaiming(ks[5], (D, D)), 'bm2': jnp.zeros((D,), jnp.float32),
    }

def reference(x, edge_index, W1, b1, W2, b2, Wm1, bm1, Wm2, bm2):
    lrelu = lambda t: jax.nn.leaky_relu(t, NEG_SLOPE)
    h = lrelu(gcn_conv(x, edge_index, W1, b1))
    h = lrelu(gcn_conv(h, edge_index, W2, b2) + h)
    mlp = lrelu(h @ Wm1 + bm1) @ Wm2 + bm2
    h = lrelu(mlp + h)
    return h

if __name__ == "__main__":
    import jax
    _d = setup_inputs()
    print(jax.jit(kernel)(*tuple(_d.values())))

</pallas_src>

<mosaic_0001>
#map = affine_map<(d0, d1) -> (0, 0)>
#map1 = affine_map<(d0, d1) -> (0, 0, 0, 0)>
#map2 = affine_map<(d0, d1) -> (0, 0, 0)>
module attributes {stable_mosaic.version = 14 : i64} {
  func.func @_agg_kernel(%arg0: i32, %arg1: i32, %arg2: memref<20000x64xf32, #tpu.memory_space<hbm>>, %arg3: memref<2x16x157x128xi32, #tpu.memory_space<hbm>>, %arg4: memref<16x157x128xi32, #tpu.memory_space<hbm>>, %arg5: memref<632x64xf32, #tpu.memory_space<hbm>>, %arg6: memref<2x10112x64xf32, #tpu.memory_space<hbm>>, %arg7: memref<157x128xi32, #tpu.memory_space<vmem>>, %arg8: memref<157x128xi32, #tpu.memory_space<vmem>>, %arg9: memref<6x128x64xf32, #tpu.memory_space<vmem>>, %arg10: memref<10112x64xf32, #tpu.memory_space<vmem_shared>>, %arg11: memref<6x!tpu.dma_semaphore, #tpu.memory_space<semaphore_mem>>, %arg12: memref<6x!tpu.dma_semaphore, #tpu.memory_space<semaphore_mem>>) attributes {dimension_semantics = [#tpu.dimension_semantics<core_parallel>, #tpu.dimension_semantics<subcore_parallel>], iteration_bounds = array<i64: 2, 16>, scalar_prefetch = 0 : i64, scratch_operands = 6 : i64, tpu.core_type = #tpu.core_type<sc_vector_subcore>, window_params = [{transform_indices = #map}, {transform_indices = #map1}, {transform_indices = #map2}, {transform_indices = #map}, {transform_indices = #map2}]} {
    %mul3A = arith.constant 632 : i32
    %mul3A_0 = arith.muli %arg1, %mul3A : i32
    "tpu.region"() ({
      %run_scoped3A = tpu.sem_alloc : memref<!tpu.dma_semaphore, #tpu.memory_space<semaphore_mem>>
      %dma_start3A_99 = arith.constant 0 : i32
      %dma_start3A_100 = tpu.memref_slice %arg10[%mul3A_0, %dma_start3A_99] : memref<10112x64xf32, #tpu.memory_space<vmem_shared>> -> memref<632x64xf32, #tpu.memory_space<vmem_shared>>
      tpu.enqueue_dma source(%arg5 : memref<632x64xf32, #tpu.memory_space<hbm>>) target(%dma_start3A_100 : memref<632x64xf32, #tpu.memory_space<vmem_shared>>) target_semaphore(%run_scoped3A : memref<!tpu.dma_semaphore, #tpu.memory_space<semaphore_mem>>)
      %dma_wait3A_101 = arith.constant 0 : i32
      %dma_wait3A_102 = tpu.memref_slice %arg10[%mul3A_0, %dma_wait3A_101] : memref<10112x64xf32, #tpu.memory_space<vmem_shared>> -> memref<632x64xf32, #tpu.memory_space<vmem_shared>>
      tpu.wait_dma2 semaphore(%run_scoped3A : memref<!tpu.dma_semaphore, #tpu.memory_space<semaphore_mem>>) src(%arg5 : memref<632x64xf32, #tpu.memory_space<hbm>>) dst(%dma_wait3A_102 : memref<632x64xf32, #tpu.memory_space<vmem_shared>>)
      tpu.yield
    }) : () -> ()
    "tpu.region"() ({
      %run_scoped3A = tpu.sem_alloc : memref<!tpu.dma_semaphore, #tpu.memory_space<semaphore_mem>>
      %dma_start3A_99 = arith.constant 0 : i32
      %dma_start3A_100 = arith.constant 0 : i32
      %dma_start3A_101 = tpu.memref_slice %arg3[%arg0, %arg1, %dma_start3A_99, %dma_start3A_100] : memref<2x16x157x128xi32, #tpu.memory_space<hbm>> -> memref<1x1x157x128xi32, #tpu.memory_space<hbm>>
      %dma_start3A_102 = tpu.memref_squeeze %dma_start3A_101 : memref<1x1x157x128xi32, #tpu.memory_space<hbm>> -> memref<157x128xi32, #tpu.memory_space<hbm>>
      %dma_start3A_103 = arith.constant 0 : i32
      %dma_start3A_104 = arith.constant 0 : i32
      %dma_start3A_105 = tpu.memref_slice %arg3[%arg0, %arg1, %dma_start3A_103, %dma_start3A_104] : memref<2x16x157x128xi32, #tpu.memory_space<hbm>> -> memref<1x1x157x128xi32, #tpu.memory_space<hbm>>
      %dma_start3A_106 = tpu.memref_squeeze %dma_start3A_105 : memref<1x1x157x128xi32, #tpu.memory_space<hbm>> -> memref<157x128xi32, #tpu.memory_space<hbm>>
      tpu.enqueue_dma source(%dma_start3A_106 : memref<157x128xi32, #tpu.memory_space<hbm>>) target(%arg7 : memref<157x128xi32, #tpu.memory_space<vmem>>) target_semaphore(%run_scoped3A : memref<!tpu.dma_semaphore, #tpu.memory_space<semaphore_mem>>)
      %dma_wait3A_107 = arith.constant 0 : i32
      %dma_wait3A_108 = arith.constant 0 : i32
      %dma_wait3A_109 = tpu.memref_slice %arg3[%arg0, %arg1, %dma_wait3A_107, %dma_wait3A_108] : memref<2x16x157x128xi32, #tpu.memory_space<hbm>> -> memref<1x1x157x128xi32, #tpu.memory_space<hbm>>
      %dma_wait3A_110 = tpu.memref_squeeze %dma_wait3A_109 : memref<1x1x157x128xi32, #tpu.memory_space<hbm>> -> memref<157x128xi32, #tpu.memory_space<hbm>>
      %dma_wait3A_111 = arith.constant 0 : i32
      %dma_wait3A_112 = arith.constant 0 : i32
      %dma_wait3A_113 = tpu.memref_slice %arg3[%arg0, %arg1, %dma_wait3A_111, %dma_wait3A_112] : memref<2x16x157x128xi32, #tpu.memory_space<hbm>> -> memref<1x1x157x128xi32, #tpu.memory_space<hbm>>
      %dma_wait3A_114 = tpu.memref_squeeze %dma_wait3A_113 : memref<1x1x157x128xi32, #tpu.memory_space<hbm>> -> memref<157x128xi32, #tpu.memory_space<hbm>>
      tpu.wait_dma2 semaphore(%run_scoped3A : memref<!tpu.dma_semaphore, #tpu.memory_space<semaphore_mem>>) src(%dma_wait3A_114 : memref<157x128xi32, #tpu.memory_space<hbm>>) dst(%arg7 : memref<157x128xi32, #tpu.memory_space<vmem>>)
      tpu.yield
    }) : () -> ()
    "tpu.region"() ({
      %run_scoped3A = tpu.sem_alloc : memref<!tpu.dma_semaphore, #tpu.memory_space<semaphore_mem>>
      %dma_start3A_99 = arith.constant 0 : i32
      %dma_start3A_100 = arith.constant 0 : i32
      %dma_start3A_101 = tpu.memref_slice %arg4[%arg1, %dma_start3A_99, %dma_start3A_100] : memref<16x157x128xi32, #tpu.memory_space<hbm>> -> memref<1x157x128xi32, #tpu.memory_space<hbm>>
      %dma_start3A_102 = tpu.memref_squeeze %dma_start3A_101 : memref<1x157x128xi32, #tpu.memory_space<hbm>> -> memref<157x128xi32, #tpu.memory_space<hbm>>
      %dma_start3A_103 = arith.constant 0 : i32
      %dma_start3A_104 = arith.constant 0 : i32
      %dma_start3A_105 = tpu.memref_slice %arg4[%arg1, %dma_start3A_103, %dma_start3A_104] : memref<16x157x128xi32, #tpu.memory_space<hbm>> -> memref<1x157x128xi32, #tpu.memory_space<hbm>>
      %dma_start3A_106 = tpu.memref_squeeze %dma_start3A_105 : memref<1x157x128xi32, #tpu.memory_space<hbm>> -> memref<157x128xi32, #tpu.memory_space<hbm>>
      tpu.enqueue_dma source(%dma_start3A_106 : memref<157x128xi32, #tpu.memory_space<hbm>>) target(%arg8 : memref<157x128xi32, #tpu.memory_space<vmem>>) target_semaphore(%run_scoped3A : memref<!tpu.dma_semaphore, #tpu.memory_space<semaphore_mem>>)
      %dma_wait3A_107 = arith.constant 0 : i32
      %dma_wait3A_108 = arith.constant 0 : i32
      %dma_wait3A_109 = tpu.memref_slice %arg4[%arg1, %dma_wait3A_107, %dma_wait3A_108] : memref<16x157x128xi32, #tpu.memory_space<hbm>> -> memref<1x157x128xi32, #tpu.memory_space<hbm>>
      %dma_wait3A_110 = tpu.memref_squeeze %dma_wait3A_109 : memref<1x157x128xi32, #tpu.memory_space<hbm>> -> memref<157x128xi32, #tpu.memory_space<hbm>>
      %dma_wait3A_111 = arith.constant 0 : i32
      %dma_wait3A_112 = arith.constant 0 : i32
      %dma_wait3A_113 = tpu.memref_slice %arg4[%arg1, %dma_wait3A_111, %dma_wait3A_112] : memref<16x157x128xi32, #tpu.memory_space<hbm>> -> memref<1x157x128xi32, #tpu.memory_space<hbm>>
      %dma_wait3A_114 = tpu.memref_squeeze %dma_wait3A_113 : memref<1x157x128xi32, #tpu.memory_space<hbm>> -> memref<157x128xi32, #tpu.memory_space<hbm>>
      tpu.wait_dma2 semaphore(%run_scoped3A : memref<!tpu.dma_semaphore, #tpu.memory_space<semaphore_mem>>) src(%dma_wait3A_114 : memref<157x128xi32, #tpu.memory_space<hbm>>) dst(%arg8 : memref<157x128xi32, #tpu.memory_space<vmem>>)
      tpu.yield
    }) : () -> ()
    %barrier3A = arith.constant 0 : index
    tpu.barrier barrier_id(%barrier3A)
    %dma_start3A = arith.constant 0 : i32
    %dma_start3A_1 = arith.constant 0 : i32
    %dma_start3A_2 = arith.constant 0 : i32
    %dma_start3A_3 = arith.constant 0 : i32
    %dma_start3A_4 = arith.constant 0 : i32
    %dma_start3A_5 = tpu.memref_slice %arg9[%dma_start3A_1, %dma_start3A_3, %dma_start3A_4] : memref<6x128x64xf32, #tpu.memory_space<vmem>> -> memref<1x128x64xf32, #tpu.memory_space<vmem>>
    %dma_start3A_6 = tpu.memref_squeeze %dma_start3A_5 : memref<1x128x64xf32, #tpu.memory_space<vmem>> -> memref<128x64xf32, #tpu.memory_space<vmem>>
    %dma_start3A_7 = arith.constant 0 : i32
    %dma_start3A_8 = tpu.memref_slice %arg7[%dma_start3A, %dma_start3A_7] : memref<157x128xi32, #tpu.memory_space<vmem>> -> memref<1x128xi32, #tpu.memory_space<vmem>>
    %dma_start3A_9 = tpu.memref_squeeze %dma_start3A_8 : memref<1x128xi32, #tpu.memory_space<vmem>> -> memref<128xi32, #tpu.memory_space<vmem>>
    %dma_start3A_10 = arith.constant 0 : i32
    %dma_start3A_11 = arith.constant 0 : i32
    %dma_start3A_12 = tpu.memref_slice %arg2[%dma_start3A_10, %dma_start3A_11] : memref<20000x64xf32, #tpu.memory_space<hbm>> -> memref<20000x64xf32, #tpu.memory_space<hbm>>
    %dma_start3A_13 = tpu.memref_slice %arg11[%dma_start3A_2] : memref<6x!tpu.dma_semaphore, #tpu.memory_space<semaphore_mem>> -> memref<1x!tpu.dma_semaphore, #tpu.memory_space<semaphore_mem>>
    %dma_start3A_14 = tpu.memref_squeeze %dma_start3A_13 : memref<1x!tpu.dma_semaphore, #tpu.memory_space<semaphore_mem>> -> memref<!tpu.dma_semaphore, #tpu.memory_space<semaphore_mem>>
    tpu.enqueue_indirect_dma source(%dma_start3A_12 : memref<20000x64xf32, #tpu.memory_space<hbm>>) target(%dma_start3A_6 : memref<128x64xf32, #tpu.memory_space<vmem>>) offsets(%dma_start3A_9 : memref<128xi32, #tpu.memory_space<vmem>>) semaphore(%dma_start3A_14 : memref<!tpu.dma_semaphore, #tpu.memory_space<semaphore_mem>>)
    %dma_start3A_15 = arith.constant 1 : i32
    %dma_start3A_16 = arith.constant 1 : i32
    %dma_start3A_17 = arith.constant 1 : i32
    %dma_start3A_18 = arith.constant 0 : i32
    %dma_start3A_19 = arith.constant 0 : i32
    %dma_start3A_20 = tpu.memref_slice %arg9[%dma_start3A_16, %dma_start3A_18, %dma_start3A_19] : memref<6x128x64xf32, #tpu.memory_space<vmem>> -> memref<1x128x64xf32, #tpu.memory_space<vmem>>
    %dma_start3A_21 = tpu.memref_squeeze %dma_start3A_20 : memref<1x128x64xf32, #tpu.memory_space<vmem>> -> memref<128x64xf32, #tpu.memory_space<vmem>>
    %dma_start3A_22 = arith.constant 0 : i32
    %dma_start3A_23 = tpu.memref_slice %arg7[%dma_start3A_15, %dma_start3A_22] : memref<157x128xi32, #tpu.memory_space<vmem>> -> memref<1x128xi32, #tpu.memory_space<vmem>>
    %dma_start3A_24 = tpu.memref_squeeze %dma_start3A_23 : memref<1x128xi32, #tpu.memory_space<vmem>> -> memref<128xi32, #tpu.memory_space<vmem>>
    %dma_start3A_25 = arith.constant 0 : i32
    %dma_start3A_26 = arith.constant 0 : i32
    %dma_start3A_27 = tpu.memref_slice %arg2[%dma_start3A_25, %dma_start3A_26] : memref<20000x64xf32, #tpu.memory_space<hbm>> -> memref<20000x64xf32, #tpu.memory_space<hbm>>
    %dma_start3A_28 = tpu.memref_slice %arg11[%dma_start3A_17] : memref<6x!tpu.dma_semaphore, #tpu.memory_space<semaphore_mem>> -> memref<1x!tpu.dma_semaphore, #tpu.memory_space<semaphore_mem>>
    %dma_start3A_29 = tpu.memref_squeeze %dma_start3A_28 : memref<1x!tpu.dma_semaphore, #tpu.memory_space<semaphore_mem>> -> memref<!tpu.dma_semaphore, #tpu.memory_space<semaphore_mem>>
    tpu.enqueue_indirect_dma source(%dma_start3A_27 : memref<20000x64xf32, #tpu.memory_space<hbm>>) target(%dma_start3A_21 : memref<128x64xf32, #tpu.memory_space<vmem>>) offsets(%dma_start3A_24 : memref<128xi32, #tpu.memory_space<vmem>>) semaphore(%dma_start3A_29 : memref<!tpu.dma_semaphore, #tpu.memory_space<semaphore_mem>>)
    %dma_start3A_30 = arith.constant 2 : i32
    %dma_start3A_31 = arith.constant 2 : i32
    %dma_start3A_32 = arith.constant 2 : i32
    %dma_start3A_33 = arith.constant 0 : i32
    %dma_start3A_34 = arith.constant 0 : i32
    %dma_start3A_35 = tpu.memref_slice %arg9[%dma_start3A_31, %dma_start3A_33, %dma_start3A_34] : memref<6x128x64xf32, #tpu.memory_space<vmem>> -> memref<1x128x64xf32, #tpu.memory_space<vmem>>
    %dma_start3A_36 = tpu.memref_squeeze %dma_start3A_35 : memref<1x128x64xf32, #tpu.memory_space<vmem>> -> memref<128x64xf32, #tpu.memory_space<vmem>>
    %dma_start3A_37 = arith.constant 0 : i32
    %dma_start3A_38 = tpu.memref_slice %arg7[%dma_start3A_30, %dma_start3A_37] : memref<157x128xi32, #tpu.memory_space<vmem>> -> memref<1x128xi32, #tpu.memory_space<vmem>>
    %dma_start3A_39 = tpu.memref_squeeze %dma_start3A_38 : memref<1x128xi32, #tpu.memory_space<vmem>> -> memref<128xi32, #tpu.memory_space<vmem>>
    %dma_start3A_40 = arith.constant 0 : i32
    %dma_start3A_41 = arith.constant 0 : i32
    %dma_start3A_42 = tpu.memref_slice %arg2[%dma_start3A_40, %dma_start3A_41] : memref<20000x64xf32, #tpu.memory_space<hbm>> -> memref<20000x64xf32, #tpu.memory_space<hbm>>
    %dma_start3A_43 = tpu.memref_slice %arg11[%dma_start3A_32] : memref<6x!tpu.dma_semaphore, #tpu.memory_space<semaphore_mem>> -> memref<1x!tpu.dma_semaphore, #tpu.memory_space<semaphore_mem>>
    %dma_start3A_44 = tpu.memref_squeeze %dma_start3A_43 : memref<1x!tpu.dma_semaphore, #tpu.memory_space<semaphore_mem>> -> memref<!tpu.dma_semaphore, #tpu.memory_space<semaphore_mem>>
    tpu.enqueue_indirect_dma source(%dma_start3A_42 : memref<20000x64xf32, #tpu.memory_space<hbm>>) target(%dma_start3A_36 : memref<128x64xf32, #tpu.memory_space<vmem>>) offsets(%dma_start3A_39 : memref<128xi32, #tpu.memory_space<vmem>>) semaphore(%dma_start3A_44 : memref<!tpu.dma_semaphore, #tpu.memory_space<semaphore_mem>>)
    %dma_start3A_45 = arith.constant 3 : i32
    %dma_start3A_46 = arith.constant 3 : i32
    %dma_start3A_47 = arith.constant 3 : i32
    %dma_start3A_48 = arith.constant 0 : i32
    %dma_start3A_49 = arith.constant 0 : i32
    %dma_start3A_50 = tpu.memref_slice %arg9[%dma_start3A_46, %dma_start3A_48, %dma_start3A_49] : memref<6x128x64xf32, #tpu.memory_space<vmem>> -> memref<1x128x64xf32, #tpu.memory_space<vmem>>
    %dma_start3A_51 = tpu.memref_squeeze %dma_start3A_50 : memref<1x128x64xf32, #tpu.memory_space<vmem>> -> memref<128x64xf32, #tpu.memory_space<vmem>>
    %dma_start3A_52 = arith.constant 0 : i32
    %dma_start3A_53 = tpu.memref_slice %arg7[%dma_start3A_45, %dma_start3A_52] : memref<157x128xi32, #tpu.memory_space<vmem>> -> memref<1x128xi32, #tpu.memory_space<vmem>>
    %dma_start3A_54 = tpu.memref_squeeze %dma_start3A_53 : memref<1x128xi32, #tpu.memory_space<vmem>> -> memref<128xi32, #tpu.memory_space<vmem>>
    %dma_start3A_55 = arith.constant 0 : i32
    %dma_start3A_56 = arith.constant 0 : i32
    %dma_start3A_57 = tpu.memref_slice %arg2[%dma_start3A_55, %dma_start3A_56] : memref<20000x64xf32, #tpu.memory_space<hbm>> -> memref<20000x64xf32, #tpu.memory_space<hbm>>
    %dma_start3A_58 = tpu.memref_slice %arg11[%dma_start3A_47] : memref<6x!tpu.dma_semaphore, #tpu.memory_space<semaphore_mem>> -> memref<1x!tpu.dma_semaphore, #tpu.memory_space<semaphore_mem>>
    %dma_start3A_59 = tpu.memref_squeeze %dma_start3A_58 : memref<1x!tpu.dma_semaphore, #tpu.memory_space<semaphore_mem>> -> memref<!tpu.dma_semaphore, #tpu.memory_space<semaphore_mem>>
    tpu.enqueue_indirect_dma source(%dma_start3A_57 : memref<20000x64xf32, #tpu.memory_space<hbm>>) target(%dma_start3A_51 : memref<128x64xf32, #tpu.memory_space<vmem>>) offsets(%dma_start3A_54 : memref<128xi32, #tpu.memory_space<vmem>>) semaphore(%dma_start3A_59 : memref<!tpu.dma_semaphore, #tpu.memory_space<semaphore_mem>>)
    %dma_start3A_60 = arith.constant 4 : i32
    %dma_start3A_61 = arith.constant 4 : i32
    %dma_start3A_62 = arith.constant 4 : i32
    %dma_start3A_63 = arith.constant 0 : i32
    %dma_start3A_64 = arith.constant 0 : i32
    %dma_start3A_65 = tpu.memref_slice %arg9[%dma_start3A_61, %dma_start3A_63, %dma_start3A_64] : memref<6x128x64xf32, #tpu.memory_space<vmem>> -> memref<1x128x64xf32, #tpu.memory_space<vmem>>
    %dma_start3A_66 = tpu.memref_squeeze %dma_start3A_65 : memref<1x128x64xf32, #tpu.memory_space<vmem>> -> memref<128x64xf32, #tpu.memory_space<vmem>>
    %dma_start3A_67 = arith.constant 0 : i32
    %dma_start3A_68 = tpu.memref_slice %arg7[%dma_start3A_60, %dma_start3A_67] : memref<157x128xi32, #tpu.memory_space<vmem>> -> memref<1x128xi32, #tpu.memory_space<vmem>>
    %dma_start3A_69 = tpu.memref_squeeze %dma_start3A_68 : memref<1x128xi32, #tpu.memory_space<vmem>> -> memref<128xi32, #tpu.memory_space<vmem>>
    %dma_start3A_70 = arith.constant 0 : i32
    %dma_start3A_71 = arith.constant 0 : i32
    %dma_start3A_72 = tpu.memref_slice %arg2[%dma_start3A_70, %dma_start3A_71] : memref<20000x64xf32, #tpu.memory_space<hbm>> -> memref<20000x64xf32, #tpu.memory_space<hbm>>
    %dma_start3A_73 = tpu.memref_slice %arg11[%dma_start3A_62] : memref<6x!tpu.dma_semaphore, #tpu.memory_space<semaphore_mem>> -> memref<1x!tpu.dma_semaphore, #tpu.memory_space<semaphore_mem>>
    %dma_start3A_74 = tpu.memref_squeeze %dma_start3A_73 : memref<1x!tpu.dma_semaphore, #tpu.memory_space<semaphore_mem>> -> memref<!tpu.dma_semaphore, #tpu.memory_space<semaphore_mem>>
    tpu.enqueue_indirect_dma source(%dma_start3A_72 : memref<20000x64xf32, #tpu.memory_space<hbm>>) target(%dma_start3A_66 : memref<128x64xf32, #tpu.memory_space<vmem>>) offsets(%dma_start3A_69 : memref<128xi32, #tpu.memory_space<vmem>>) semaphore(%dma_start3A_74 : memref<!tpu.dma_semaphore, #tpu.memory_space<semaphore_mem>>)
    %scan3A = arith.constant 0 : i32
    %scan3A_75 = arith.constant 0 : i32
    %scan3A_76 = arith.constant 157 : i32
    %scan3A_77 = arith.addi %scan3A_75, %scan3A_76 : i32
    %scan3A_78 = arith.constant 1 : i32
    scf.for %scan3A_99 = %scan3A_75 to %scan3A_77 step %scan3A_78  : i32 {
      %ge3A = arith.constant 1 : i32
      %ge3A_100 = arith.cmpi sge, %scan3A_99, %ge3A : i32
      %convert_element_type3A = arith.extui %ge3A_100 : i1 to i32
      %cond3A = arith.constant 0 : i32
      %cond3A_101 = arith.cmpi ne, %convert_element_type3A, %cond3A : i32
      scf.if %cond3A_101 {
        %sub3A = arith.constant 1 : i32
        %sub3A_157 = arith.subi %scan3A_99, %sub3A : i32
        %jit3A_158 = arith.constant 6 : i32
        %eq3A_159 = arith.constant 0 : i32
        %eq3A_160 = arith.cmpi eq, %jit3A_158, %eq3A_159 : i32
        %jit3A_161 = arith.constant 1 : i32
        %select_n3A_162 = arith.select %eq3A_160, %jit3A_161, %jit3A_158 : i32
        %rem3A_163 = arith.remsi %sub3A_157, %select_n3A_162 : i32
        %ne3A_164 = arith.constant 0 : i32
        %ne3A_165 = arith.cmpi ne, %rem3A_163, %ne3A_164 : i32
        %lt3A_166 = arith.constant 0 : i32
        %lt3A_167 = arith.cmpi slt, %rem3A_163, %lt3A_166 : i32
        %lt3A_168 = arith.constant 0 : i32
        %lt3A_169 = arith.cmpi slt, %select_n3A_162, %lt3A_168 : i32
        %ne3A_170 = arith.xori %lt3A_167, %lt3A_169 : i1
        %and3A_171 = arith.andi %ne3A_170, %ne3A_165 : i1
        %add3A_172 = arith.addi %rem3A_163, %select_n3A_162 : i32
        %select_n3A_173 = arith.select %and3A_171, %add3A_172, %rem3A_163 : i32
        %dma_wait3A_174 = arith.constant 0 : i32
        %dma_wait3A_175 = arith.constant 0 : i32
        %dma_wait3A_176 = tpu.memref_slice %arg9[%select_n3A_173, %dma_wait3A_174, %dma_wait3A_175] : memref<6x128x64xf32, #tpu.memory_space<vmem>> -> memref<1x128x64xf32, #tpu.memory_space<vmem>>
        %dma_wait3A_177 = tpu.memref_squeeze %dma_wait3A_176 : memref<1x128x64xf32, #tpu.memory_space<vmem>> -> memref<128x64xf32, #tpu.memory_space<vmem>>
        %dma_wait3A_178 = arith.constant 0 : i32
        %dma_wait3A_179 = tpu.memref_slice %arg8[%sub3A_157, %dma_wait3A_178] : memref<157x128xi32, #tpu.memory_space<vmem>> -> memref<1x128xi32, #tpu.memory_space<vmem>>
        %dma_wait3A_180 = tpu.memref_squeeze %dma_wait3A_179 : memref<1x128xi32, #tpu.memory_space<vmem>> -> memref<128xi32, #tpu.memory_space<vmem>>
        %dma_wait3A_181 = arith.constant 0 : i32
        %dma_wait3A_182 = arith.constant 0 : i32
        %dma_wait3A_183 = tpu.memref_slice %arg10[%dma_wait3A_181, %dma_wait3A_182] : memref<10112x64xf32, #tpu.memory_space<vmem_shared>> -> memref<10112x64xf32, #tpu.memory_space<vmem_shared>>
        %dma_wait3A_184 = tpu.memref_slice %arg12[%select_n3A_173] : memref<6x!tpu.dma_semaphore, #tpu.memory_space<semaphore_mem>> -> memref<1x!tpu.dma_semaphore, #tpu.memory_space<semaphore_mem>>
        %dma_wait3A_185 = tpu.memref_squeeze %dma_wait3A_184 : memref<1x!tpu.dma_semaphore, #tpu.memory_space<semaphore_mem>> -> memref<!tpu.dma_semaphore, #tpu.memory_space<semaphore_mem>>
        tpu.wait_indirect_dma semaphore(%dma_wait3A_185 : memref<!tpu.dma_semaphore, #tpu.memory_space<semaphore_mem>>) src(%dma_wait3A_177 : memref<128x64xf32, #tpu.memory_space<vmem>>) dst(%dma_wait3A_183 : memref<10112x64xf32, #tpu.memory_space<vmem_shared>>)
      } else {
      }
      %jit3A = arith.constant 6 : i32
      %eq3A = arith.constant 0 : i32
      %eq3A_102 = arith.cmpi eq, %jit3A, %eq3A : i32
      %jit3A_103 = arith.constant 1 : i32
      %select_n3A = arith.select %eq3A_102, %jit3A_103, %jit3A : i32
      %rem3A = arith.remsi %scan3A_99, %select_n3A : i32
      %ne3A = arith.constant 0 : i32
      %ne3A_104 = arith.cmpi ne, %rem3A, %ne3A : i32
      %lt3A = arith.constant 0 : i32
      %lt3A_105 = arith.cmpi slt, %rem3A, %lt3A : i32
      %lt3A_106 = arith.constant 0 : i32
      %lt3A_107 = arith.cmpi slt, %select_n3A, %lt3A_106 : i32
      %ne3A_108 = arith.xori %lt3A_105, %lt3A_107 : i1
      %and3A = arith.andi %ne3A_108, %ne3A_104 : i1
      %add3A = arith.addi %rem3A, %select_n3A : i32
      %select_n3A_109 = arith.select %and3A, %add3A, %rem3A : i32
      %dma_wait3A_110 = arith.constant 0 : i32
      %dma_wait3A_111 = arith.constant 0 : i32
      %dma_wait3A_112 = tpu.memref_slice %arg9[%select_n3A_109, %dma_wait3A_110, %dma_wait3A_111] : memref<6x128x64xf32, #tpu.memory_space<vmem>> -> memref<1x128x64xf32, #tpu.memory_space<vmem>>
      %dma_wait3A_113 = tpu.memref_squeeze %dma_wait3A_112 : memref<1x128x64xf32, #tpu.memory_space<vmem>> -> memref<128x64xf32, #tpu.memory_space<vmem>>
      %dma_wait3A_114 = arith.constant 0 : i32
      %dma_wait3A_115 = tpu.memref_slice %arg7[%scan3A_99, %dma_wait3A_114] : memref<157x128xi32, #tpu.memory_space<vmem>> -> memref<1x128xi32, #tpu.memory_space<vmem>>
      %dma_wait3A_116 = tpu.memref_squeeze %dma_wait3A_115 : memref<1x128xi32, #tpu.memory_space<vmem>> -> memref<128xi32, #tpu.memory_space<vmem>>
      %dma_wait3A_117 = arith.constant 0 : i32
      %dma_wait3A_118 = arith.constant 0 : i32
      %dma_wait3A_119 = tpu.memref_slice %arg2[%dma_wait3A_117, %dma_wait3A_118] : memref<20000x64xf32, #tpu.memory_space<hbm>> -> memref<20000x64xf32, #tpu.memory_space<hbm>>
      %dma_wait3A_120 = tpu.memref_slice %arg11[%select_n3A_109] : memref<6x!tpu.dma_semaphore, #tpu.memory_space<semaphore_mem>> -> memref<1x!tpu.dma_semaphore, #tpu.memory_space<semaphore_mem>>
      %dma_wait3A_121 = tpu.memref_squeeze %dma_wait3A_120 : memref<1x!tpu.dma_semaphore, #tpu.memory_space<semaphore_mem>> -> memref<!tpu.dma_semaphore, #tpu.memory_space<semaphore_mem>>
      tpu.wait_indirect_dma semaphore(%dma_wait3A_121 : memref<!tpu.dma_semaphore, #tpu.memory_space<semaphore_mem>>) src(%dma_wait3A_119 : memref<20000x64xf32, #tpu.memory_space<hbm>>) dst(%dma_wait3A_113 : memref<128x64xf32, #tpu.memory_space<vmem>>)
      %jit3A_122 = arith.constant 6 : i32
      %eq3A_123 = arith.constant 0 : i32
      %eq3A_124 = arith.cmpi eq, %jit3A_122, %eq3A_123 : i32
      %jit3A_125 = arith.constant 1 : i32
      %select_n3A_126 = arith.select %eq3A_124, %jit3A_125, %jit3A_122 : i32
      %rem3A_127 = arith.remsi %scan3A_99, %select_n3A_126 : i32
      %ne3A_128 = arith.constant 0 : i32
      %ne3A_129 = arith.cmpi ne, %rem3A_127, %ne3A_128 : i32
      %lt3A_130 = arith.constant 0 : i32
      %lt3A_131 = arith.cmpi slt, %rem3A_127, %lt3A_130 : i32
      %lt3A_132 = arith.constant 0 : i32
      %lt3A_133 = arith.cmpi slt, %select_n3A_126, %lt3A_132 : i32
      %ne3A_134 = arith.xori %lt3A_131, %lt3A_133 : i1
      %and3A_135 = arith.andi %ne3A_134, %ne3A_129 : i1
      %add3A_136 = arith.addi %rem3A_127, %select_n3A_126 : i32
      %select_n3A_137 = arith.select %and3A_135, %add3A_136, %rem3A_127 : i32
      %dma_start3A_138 = arith.constant 0 : i32
      %dma_start3A_139 = arith.constant 0 : i32
      %dma_start3A_140 = tpu.memref_slice %arg9[%select_n3A_137, %dma_start3A_138, %dma_start3A_139] : memref<6x128x64xf32, #tpu.memory_space<vmem>> -> memref<1x128x64xf32, #tpu.memory_space<vmem>>
      %dma_start3A_141 = tpu.memref_squeeze %dma_start3A_140 : memref<1x128x64xf32, #tpu.memory_space<vmem>> -> memref<128x64xf32, #tpu.memory_space<vmem>>
      %dma_start3A_142 = arith.constant 0 : i32
      %dma_start3A_143 = tpu.memref_slice %arg8[%scan3A_99, %dma_start3A_142] : memref<157x128xi32, #tpu.memory_space<vmem>> -> memref<1x128xi32, #tpu.memory_space<vmem>>
      %dma_start3A_144 = tpu.memref_squeeze %dma_start3A_143 : memref<1x128xi32, #tpu.memory_space<vmem>> -> memref<128xi32, #tpu.memory_space<vmem>>
      %dma_start3A_145 = arith.constant 0 : i32
      %dma_start3A_146 = arith.constant 0 : i32
      %dma_start3A_147 = tpu.memref_slice %arg10[%dma_start3A_145, %dma_start3A_146] : memref<10112x64xf32, #tpu.memory_space<vmem_shared>> -> memref<10112x64xf32, #tpu.memory_space<vmem_shared>>
      %dma_start3A_148 = tpu.memref_slice %arg12[%select_n3A_137] : memref<6x!tpu.dma_semaphore, #tpu.memory_space<semaphore_mem>> -> memref<1x!tpu.dma_semaphore, #tpu.memory_space<semaphore_mem>>
      %dma_start3A_149 = tpu.memref_squeeze %dma_start3A_148 : memref<1x!tpu.dma_semaphore, #tpu.memory_space<semaphore_mem>> -> memref<!tpu.dma_semaphore, #tpu.memory_space<semaphore_mem>>
      tpu.enqueue_indirect_dma source(%dma_start3A_141 : memref<128x64xf32, #tpu.memory_space<vmem>>) target(%dma_start3A_147 : memref<10112x64xf32, #tpu.memory_space<vmem_shared>>) offsets(%dma_start3A_144 : memref<128xi32, #tpu.memory_space<vmem>>) semaphore(%dma_start3A_149 : memref<!tpu.dma_semaphore, #tpu.memory_space<semaphore_mem>>) {add = true}
      %add3A_150 = arith.constant 5 : i32
      %add3A_151 = arith.addi %scan3A_99, %add3A_150 : i32
      %lt3A_152 = arith.constant 157 : i32
      %lt3A_153 = arith.cmpi slt, %add3A_151, %lt3A_152 : i32
      %convert_element_type3A_154 = arith.extui %lt3A_153 : i1 to i32
      %cond3A_155 = arith.constant 0 : i32
      %cond3A_156 = arith.cmpi ne, %convert_element_type3A_154, %cond3A_155 : i32
      scf.if %cond3A_156 {
        %add3A_157 = arith.constant 5 : i32
        %add3A_158 = arith.addi %scan3A_99, %add3A_157 : i32
        %jit3A_159 = arith.constant 6 : i32
        %eq3A_160 = arith.constant 0 : i32
        %eq3A_161 = arith.cmpi eq, %jit3A_159, %eq3A_160 : i32
        %jit3A_162 = arith.constant 1 : i32
        %select_n3A_163 = arith.select %eq3A_161, %jit3A_162, %jit3A_159 : i32
        %rem3A_164 = arith.remsi %add3A_158, %select_n3A_163 : i32
        %ne3A_165 = arith.constant 0 : i32
        %ne3A_166 = arith.cmpi ne, %rem3A_164, %ne3A_165 : i32
        %lt3A_167 = arith.constant 0 : i32
        %lt3A_168 = arith.cmpi slt, %rem3A_164, %lt3A_167 : i32
        %lt3A_169 = arith.constant 0 : i32
        %lt3A_170 = arith.cmpi slt, %select_n3A_163, %lt3A_169 : i32
        %ne3A_171 = arith.xori %lt3A_168, %lt3A_170 : i1
        %and3A_172 = arith.andi %ne3A_171, %ne3A_166 : i1
        %add3A_173 = arith.addi %rem3A_164, %select_n3A_163 : i32
        %select_n3A_174 = arith.select %and3A_172, %add3A_173, %rem3A_164 : i32
        %dma_start3A_175 = arith.constant 0 : i32
        %dma_start3A_176 = arith.constant 0 : i32
        %dma_start3A_177 = tpu.memref_slice %arg9[%select_n3A_174, %dma_start3A_175, %dma_start3A_176] : memref<6x128x64xf32, #tpu.memory_space<vmem>> -> memref<1x128x64xf32, #tpu.memory_space<vmem>>
        %dma_start3A_178 = tpu.memref_squeeze %dma_start3A_177 : memref<1x128x64xf32, #tpu.memory_space<vmem>> -> memref<128x64xf32, #tpu.memory_space<vmem>>
        %dma_start3A_179 = arith.constant 0 : i32
        %dma_start3A_180 = tpu.memref_slice %arg7[%add3A_158, %dma_start3A_179] : memref<157x128xi32, #tpu.memory_space<vmem>> -> memref<1x128xi32, #tpu.memory_space<vmem>>
        %dma_start3A_181 = tpu.memref_squeeze %dma_start3A_180 : memref<1x128xi32, #tpu.memory_space<vmem>> -> memref<128xi32, #tpu.memory_space<vmem>>
        %dma_start3A_182 = arith.constant 0 : i32
        %dma_start3A_183 = arith.constant 0 : i32
        %dma_start3A_184 = tpu.memref_slice %arg2[%dma_start3A_182, %dma_start3A_183] : memref<20000x64xf32, #tpu.memory_space<hbm>> -> memref<20000x64xf32, #tpu.memory_space<hbm>>
        %dma_start3A_185 = tpu.memref_slice %arg11[%select_n3A_174] : memref<6x!tpu.dma_semaphore, #tpu.memory_space<semaphore_mem>> -> memref<1x!tpu.dma_semaphore, #tpu.memory_space<semaphore_mem>>
        %dma_start3A_186 = tpu.memref_squeeze %dma_start3A_185 : memref<1x!tpu.dma_semaphore, #tpu.memory_space<semaphore_mem>> -> memref<!tpu.dma_semaphore, #tpu.memory_space<semaphore_mem>>
        tpu.enqueue_indirect_dma source(%dma_start3A_184 : memref<20000x64xf32, #tpu.memory_space<hbm>>) target(%dma_start3A_178 : memref<128x64xf32, #tpu.memory_space<vmem>>) offsets(%dma_start3A_181 : memref<128xi32, #tpu.memory_space<vmem>>) semaphore(%dma_start3A_186 : memref<!tpu.dma_semaphore, #tpu.memory_space<semaphore_mem>>)
      } else {
      }
    }
    %scan3A_79 = arith.constant 157 : i32
    %dma_wait3A = arith.constant 0 : i32
    %dma_wait3A_80 = arith.constant 156 : i32
    %dma_wait3A_81 = arith.constant 0 : i32
    %dma_wait3A_82 = arith.constant 0 : i32
    %dma_wait3A_83 = arith.constant 0 : i32
    %dma_wait3A_84 = tpu.memref_slice %arg9[%dma_wait3A, %dma_wait3A_82, %dma_wait3A_83] : memref<6x128x64xf32, #tpu.memory_space<vmem>> -> memref<1x128x64xf32, #tpu.memory_space<vmem>>
    %dma_wait3A_85 = tpu.memref_squeeze %dma_wait3A_84 : memref<1x128x64xf32, #tpu.memory_space<vmem>> -> memref<128x64xf32, #tpu.memory_space<vmem>>
    %dma_wait3A_86 = arith.constant 0 : i32
    %dma_wait3A_87 = tpu.memref_slice %arg8[%dma_wait3A_80, %dma_wait3A_86] : memref<157x128xi32, #tpu.memory_space<vmem>> -> memref<1x128xi32, #tpu.memory_space<vmem>>
    %dma_wait3A_88 = tpu.memref_squeeze %dma_wait3A_87 : memref<1x128xi32, #tpu.memory_space<vmem>> -> memref<128xi32, #tpu.memory_space<vmem>>
    %dma_wait3A_89 = arith.constant 0 : i32
    %dma_wait3A_90 = arith.constant 0 : i32
    %dma_wait3A_91 = tpu.memref_slice %arg10[%dma_wait3A_89, %dma_wait3A_90] : memref<10112x64xf32, #tpu.memory_space<vmem_shared>> -> memref<10112x64xf32, #tpu.memory_space<vmem_shared>>
    %dma_wait3A_92 = tpu.memref_slice %arg12[%dma_wait3A_81] : memref<6x!tpu.dma_semaphore, #tpu.memory_space<semaphore_mem>> -> memref<1x!tpu.dma_semaphore, #tpu.memory_space<semaphore_mem>>
    %dma_wait3A_93 = tpu.memref_squeeze %dma_wait3A_92 : memref<1x!tpu.dma_semaphore, #tpu.memory_space<semaphore_mem>> -> memref<!tpu.dma_semaphore, #tpu.memory_space<semaphore_mem>>
    tpu.wait_indirect_dma semaphore(%dma_wait3A_93 : memref<!tpu.dma_semaphore, #tpu.memory_space<semaphore_mem>>) src(%dma_wait3A_85 : memref<128x64xf32, #tpu.memory_space<vmem>>) dst(%dma_wait3A_91 : memref<10112x64xf32, #tpu.memory_space<vmem_shared>>)
    %barrier3A_94 = arith.constant 0 : index
    tpu.barrier barrier_id(%barrier3A_94)
    %mul3A_95 = arith.constant 632 : i32
    %mul3A_96 = arith.muli %arg1, %mul3A_95 : i32
    %mul3A_97 = arith.constant 632 : i32
    %mul3A_98 = arith.muli %arg1, %mul3A_97 : i32
    "tpu.region"() ({
      %run_scoped3A = tpu.sem_alloc : memref<!tpu.dma_semaphore, #tpu.memory_space<semaphore_mem>>
      %dma_start3A_99 = arith.constant 0 : i32
      %dma_start3A_100 = tpu.memref_slice %arg6[%arg0, %mul3A_98, %dma_start3A_99] : memref<2x10112x64xf32, #tpu.memory_space<hbm>> -> memref<1x632x64xf32, #tpu.memory_space<hbm>>
      %dma_start3A_101 = tpu.memref_squeeze %dma_start3A_100 : memref<1x632x64xf32, #tpu.memory_space<hbm>> -> memref<632x64xf32, #tpu.memory_space<hbm>>
      %dma_start3A_102 = arith.constant 0 : i32
      %dma_start3A_103 = tpu.memref_slice %arg10[%mul3A_96, %dma_start3A_102] : memref<10112x64xf32, #tpu.memory_space<vmem_shared>> -> memref<632x64xf32, #tpu.memory_space<vmem_shared>>
      tpu.enqueue_dma source(%dma_start3A_103 : memref<632x64xf32, #tpu.memory_space<vmem_shared>>) target(%dma_start3A_101 : memref<632x64xf32, #tpu.memory_space<hbm>>) target_semaphore(%run_scoped3A : memref<!tpu.dma_semaphore, #tpu.memory_space<semaphore_mem>>)
      %dma_wait3A_104 = arith.constant 0 : i32
      %dma_wait3A_105 = tpu.memref_slice %arg6[%arg0, %mul3A_98, %dma_wait3A_104] : memref<2x10112x64xf32, #tpu.memory_space<hbm>> -> memref<1x632x64xf32, #tpu.memory_space<hbm>>
      %dma_wait3A_106 = tpu.memref_squeeze %dma_wait3A_105 : memref<1x632x64xf32, #tpu.memory_space<hbm>> -> memref<632x64xf32, #tpu.memory_space<hbm>>
      %dma_wait3A_107 = arith.constant 0 : i32
      %dma_wait3A_108 = tpu.memref_slice %arg10[%mul3A_96, %dma_wait3A_107] : memref<10112x64xf32, #tpu.memory_space<vmem_shared>> -> memref<632x64xf32, #tpu.memory_space<vmem_shared>>
      tpu.wait_dma2 semaphore(%run_scoped3A : memref<!tpu.dma_semaphore, #tpu.memory_space<semaphore_mem>>) src(%dma_wait3A_108 : memref<632x64xf32, #tpu.memory_space<vmem_shared>>) dst(%dma_wait3A_106 : memref<632x64xf32, #tpu.memory_space<hbm>>)
      tpu.yield
    }) : () -> ()
    return
  }
}

#map = affine_map<(d0, d1) -> (0, 0)>
#map1 = affine_map<(d0, d1) -> (0, 0, 0, 0)>
#map2 = affine_map<(d0, d1) -> (0, 0, 0)>
module attributes {stable_mosaic.version = 14 : i64} {
  func.func @_agg_kernel(%arg0: i32, %arg1: i32, %arg2: memref<20000x64xf32, #tpu.memory_space<hbm>>, %arg3: memref<2x16x157x128xi32, #tpu.memory_space<hbm>>, %arg4: memref<16x157x128xi32, #tpu.memory_space<hbm>>, %arg5: memref<632x64xf32, #tpu.memory_space<hbm>>, %arg6: memref<2x10112x64xf32, #tpu.memory_space<hbm>>, %arg7: memref<157x128xi32, #tpu.memory_space<vmem>>, %arg8: memref<157x128xi32, #tpu.memory_space<vmem>>, %arg9: memref<6x128x64xf32, #tpu.memory_space<vmem>>, %arg10: memref<10112x64xf32, #tpu.memory_space<vmem_shared>>, %arg11: memref<6x!tpu.dma_semaphore, #tpu.memory_space<semaphore_mem>>, %arg12: memref<6x!tpu.dma_semaphore, #tpu.memory_space<semaphore_mem>>) attributes {dimension_semantics = [#tpu.dimension_semantics<core_parallel>, #tpu.dimension_semantics<subcore_parallel>], iteration_bounds = array<i64: 2, 16>, scalar_prefetch = 0 : i64, scratch_operands = 6 : i64, tpu.core_type = #tpu.core_type<sc_vector_subcore>, window_params = [{transform_indices = #map}, {transform_indices = #map1}, {transform_indices = #map2}, {transform_indices = #map}, {transform_indices = #map2}]} {
    %mul3A = arith.constant 632 : i32
    %mul3A_0 = arith.muli %arg1, %mul3A : i32
    "tpu.region"() ({
      %run_scoped3A = tpu.sem_alloc : memref<!tpu.dma_semaphore, #tpu.memory_space<semaphore_mem>>
      %dma_start3A_99 = arith.constant 0 : i32
      %dma_start3A_100 = tpu.memref_slice %arg10[%mul3A_0, %dma_start3A_99] : memref<10112x64xf32, #tpu.memory_space<vmem_shared>> -> memref<632x64xf32, #tpu.memory_space<vmem_shared>>
      tpu.enqueue_dma source(%arg5 : memref<632x64xf32, #tpu.memory_space<hbm>>) target(%dma_start3A_100 : memref<632x64xf32, #tpu.memory_space<vmem_shared>>) target_semaphore(%run_scoped3A : memref<!tpu.dma_semaphore, #tpu.memory_space<semaphore_mem>>)
      %dma_wait3A_101 = arith.constant 0 : i32
      %dma_wait3A_102 = tpu.memref_slice %arg10[%mul3A_0, %dma_wait3A_101] : memref<10112x64xf32, #tpu.memory_space<vmem_shared>> -> memref<632x64xf32, #tpu.memory_space<vmem_shared>>
      tpu.wait_dma2 semaphore(%run_scoped3A : memref<!tpu.dma_semaphore, #tpu.memory_space<semaphore_mem>>) src(%arg5 : memref<632x64xf32, #tpu.memory_space<hbm>>) dst(%dma_wait3A_102 : memref<632x64xf32, #tpu.memory_space<vmem_shared>>)
      tpu.yield
    }) : () -> ()
    "tpu.region"() ({
      %run_scoped3A = tpu.sem_alloc : memref<!tpu.dma_semaphore, #tpu.memory_space<semaphore_mem>>
      %dma_start3A_99 = arith.constant 0 : i32
      %dma_start3A_100 = arith.constant 0 : i32
      %dma_start3A_101 = tpu.memref_slice %arg3[%arg0, %arg1, %dma_start3A_99, %dma_start3A_100] : memref<2x16x157x128xi32, #tpu.memory_space<hbm>> -> memref<1x1x157x128xi32, #tpu.memory_space<hbm>>
      %dma_start3A_102 = tpu.memref_squeeze %dma_start3A_101 : memref<1x1x157x128xi32, #tpu.memory_space<hbm>> -> memref<157x128xi32, #tpu.memory_space<hbm>>
      %dma_start3A_103 = arith.constant 0 : i32
      %dma_start3A_104 = arith.constant 0 : i32
      %dma_start3A_105 = tpu.memref_slice %arg3[%arg0, %arg1, %dma_start3A_103, %dma_start3A_104] : memref<2x16x157x128xi32, #tpu.memory_space<hbm>> -> memref<1x1x157x128xi32, #tpu.memory_space<hbm>>
      %dma_start3A_106 = tpu.memref_squeeze %dma_start3A_105 : memref<1x1x157x128xi32, #tpu.memory_space<hbm>> -> memref<157x128xi32, #tpu.memory_space<hbm>>
      tpu.enqueue_dma source(%dma_start3A_106 : memref<157x128xi32, #tpu.memory_space<hbm>>) target(%arg7 : memref<157x128xi32, #tpu.memory_space<vmem>>) target_semaphore(%run_scoped3A : memref<!tpu.dma_semaphore, #tpu.memory_space<semaphore_mem>>)
      %dma_wait3A_107 = arith.constant 0 : i32
      %dma_wait3A_108 = arith.constant 0 : i32
      %dma_wait3A_109 = tpu.memref_slice %arg3[%arg0, %arg1, %dma_wait3A_107, %dma_wait3A_108] : memref<2x16x157x128xi32, #tpu.memory_space<hbm>> -> memref<1x1x157x128xi32, #tpu.memory_space<hbm>>
      %dma_wait3A_110 = tpu.memref_squeeze %dma_wait3A_109 : memref<1x1x157x128xi32, #tpu.memory_space<hbm>> -> memref<157x128xi32, #tpu.memory_space<hbm>>
      %dma_wait3A_111 = arith.constant 0 : i32
      %dma_wait3A_112 = arith.constant 0 : i32
      %dma_wait3A_113 = tpu.memref_slice %arg3[%arg0, %arg1, %dma_wait3A_111, %dma_wait3A_112] : memref<2x16x157x128xi32, #tpu.memory_space<hbm>> -> memref<1x1x157x128xi32, #tpu.memory_space<hbm>>
      %dma_wait3A_114 = tpu.memref_squeeze %dma_wait3A_113 : memref<1x1x157x128xi32, #tpu.memory_space<hbm>> -> memref<157x128xi32, #tpu.memory_space<hbm>>
      tpu.wait_dma2 semaphore(%run_scoped3A : memref<!tpu.dma_semaphore, #tpu.memory_space<semaphore_mem>>) src(%dma_wait3A_114 : memref<157x128xi32, #tpu.memory_space<hbm>>) dst(%arg7 : memref<157x128xi32, #tpu.memory_space<vmem>>)
      tpu.yield
    }) : () -> ()
    "tpu.region"() ({
      %run_scoped3A = tpu.sem_alloc : memref<!tpu.dma_semaphore, #tpu.memory_space<semaphore_mem>>
      %dma_start3A_99 = arith.constant 0 : i32
      %dma_start3A_100 = arith.constant 0 : i32
      %dma_start3A_101 = tpu.memref_slice %arg4[%arg1, %dma_start3A_99, %dma_start3A_100] : memref<16x157x128xi32, #tpu.memory_space<hbm>> -> memref<1x157x128xi32, #tpu.memory_space<hbm>>
      %dma_start3A_102 = tpu.memref_squeeze %dma_start3A_101 : memref<1x157x128xi32, #tpu.memory_space<hbm>> -> memref<157x128xi32, #tpu.memory_space<hbm>>
      %dma_start3A_103 = arith.constant 0 : i32
      %dma_start3A_104 = arith.constant 0 : i32
      %dma_start3A_105 = tpu.memref_slice %arg4[%arg1, %dma_start3A_103, %dma_start3A_104] : memref<16x157x128xi32, #tpu.memory_space<hbm>> -> memref<1x157x128xi32, #tpu.memory_space<hbm>>
      %dma_start3A_106 = tpu.memref_squeeze %dma_start3A_105 : memref<1x157x128xi32, #tpu.memory_space<hbm>> -> memref<157x128xi32, #tpu.memory_space<hbm>>
      tpu.enqueue_dma source(%dma_start3A_106 : memref<157x128xi32, #tpu.memory_space<hbm>>) target(%arg8 : memref<157x128xi32, #tpu.memory_space<vmem>>) target_semaphore(%run_scoped3A : memref<!tpu.dma_semaphore, #tpu.memory_space<semaphore_mem>>)
      %dma_wait3A_107 = arith.constant 0 : i32
      %dma_wait3A_108 = arith.constant 0 : i32
      %dma_wait3A_109 = tpu.memref_slice %arg4[%arg1, %dma_wait3A_107, %dma_wait3A_108] : memref<16x157x128xi32, #tpu.memory_space<hbm>> -> memref<1x157x128xi32, #tpu.memory_space<hbm>>
      %dma_wait3A_110 = tpu.memref_squeeze %dma_wait3A_109 : memref<1x157x128xi32, #tpu.memory_space<hbm>> -> memref<157x128xi32, #tpu.memory_space<hbm>>
      %dma_wait3A_111 = arith.constant 0 : i32
      %dma_wait3A_112 = arith.constant 0 : i32
      %dma_wait3A_113 = tpu.memref_slice %arg4[%arg1, %dma_wait3A_111, %dma_wait3A_112] : memref<16x157x128xi32, #tpu.memory_space<hbm>> -> memref<1x157x128xi32, #tpu.memory_space<hbm>>
      %dma_wait3A_114 = tpu.memref_squeeze %dma_wait3A_113 : memref<1x157x128xi32, #tpu.memory_space<hbm>> -> memref<157x128xi32, #tpu.memory_space<hbm>>
      tpu.wait_dma2 semaphore(%run_scoped3A : memref<!tpu.dma_semaphore, #tpu.memory_space<semaphore_mem>>) src(%dma_wait3A_114 : memref<157x128xi32, #tpu.memory_space<hbm>>) dst(%arg8 : memref<157x128xi32, #tpu.memory_space<vmem>>)
      tpu.yield
    }) : () -> ()
    %barrier3A = arith.constant 0 : index
    tpu.barrier barrier_id(%barrier3A)
    %dma_start3A = arith.constant 0 : i32
    %dma_start3A_1 = arith.constant 0 : i32
    %dma_start3A_2 = arith.constant 0 : i32
    %dma_start3A_3 = arith.constant 0 : i32
    %dma_start3A_4 = arith.constant 0 : i32
    %dma_start3A_5 = tpu.memref_slice %arg9[%dma_start3A_1, %dma_start3A_3, %dma_start3A_4] : memref<6x128x64xf32, #tpu.memory_space<vmem>> -> memref<1x128x64xf32, #tpu.memory_space<vmem>>
    %dma_start3A_6 = tpu.memref_squeeze %dma_start3A_5 : memref<1x128x64xf32, #tpu.memory_space<vmem>> -> memref<128x64xf32, #tpu.memory_space<vmem>>
    %dma_start3A_7 = arith.constant 0 : i32
    %dma_start3A_8 = tpu.memref_slice %arg7[%dma_start3A, %dma_start3A_7] : memref<157x128xi32, #tpu.memory_space<vmem>> -> memref<1x128xi32, #tpu.memory_space<vmem>>
    %dma_start3A_9 = tpu.memref_squeeze %dma_start3A_8 : memref<1x128xi32, #tpu.memory_space<vmem>> -> memref<128xi32, #tpu.memory_space<vmem>>
    %dma_start3A_10 = arith.constant 0 : i32
    %dma_start3A_11 = arith.constant 0 : i32
    %dma_start3A_12 = tpu.memref_slice %arg2[%dma_start3A_10, %dma_start3A_11] : memref<20000x64xf32, #tpu.memory_space<hbm>> -> memref<20000x64xf32, #tpu.memory_space<hbm>>
    %dma_start3A_13 = tpu.memref_slice %arg11[%dma_start3A_2] : memref<6x!tpu.dma_semaphore, #tpu.memory_space<semaphore_mem>> -> memref<1x!tpu.dma_semaphore, #tpu.memory_space<semaphore_mem>>
    %dma_start3A_14 = tpu.memref_squeeze %dma_start3A_13 : memref<1x!tpu.dma_semaphore, #tpu.memory_space<semaphore_mem>> -> memref<!tpu.dma_semaphore, #tpu.memory_space<semaphore_mem>>
    tpu.enqueue_indirect_dma source(%dma_start3A_12 : memref<20000x64xf32, #tpu.memory_space<hbm>>) target(%dma_start3A_6 : memref<128x64xf32, #tpu.memory_space<vmem>>) offsets(%dma_start3A_9 : memref<128xi32, #tpu.memory_space<vmem>>) semaphore(%dma_start3A_14 : memref<!tpu.dma_semaphore, #tpu.memory_space<semaphore_mem>>)
    %dma_start3A_15 = arith.constant 1 : i32
    %dma_start3A_16 = arith.constant 1 : i32
    %dma_start3A_17 = arith.constant 1 : i32
    %dma_start3A_18 = arith.constant 0 : i32
    %dma_start3A_19 = arith.constant 0 : i32
    %dma_start3A_20 = tpu.memref_slice %arg9[%dma_start3A_16, %dma_start3A_18, %dma_start3A_19] : memref<6x128x64xf32, #tpu.memory_space<vmem>> -> memref<1x128x64xf32, #tpu.memory_space<vmem>>
    %dma_start3A_21 = tpu.memref_squeeze %dma_start3A_20 : memref<1x128x64xf32, #tpu.memory_space<vmem>> -> memref<128x64xf32, #tpu.memory_space<vmem>>
    %dma_start3A_22 = arith.constant 0 : i32
    %dma_start3A_23 = tpu.memref_slice %arg7[%dma_start3A_15, %dma_start3A_22] : memref<157x128xi32, #tpu.memory_space<vmem>> -> memref<1x128xi32, #tpu.memory_space<vmem>>
    %dma_start3A_24 = tpu.memref_squeeze %dma_start3A_23 : memref<1x128xi32, #tpu.memory_space<vmem>> -> memref<128xi32, #tpu.memory_space<vmem>>
    %dma_start3A_25 = arith.constant 0 : i32
    %dma_start3A_26 = arith.constant 0 : i32
    %dma_start3A_27 = tpu.memref_slice %arg2[%dma_start3A_25, %dma_start3A_26] : memref<20000x64xf32, #tpu.memory_space<hbm>> -> memref<20000x64xf32, #tpu.memory_space<hbm>>
    %dma_start3A_28 = tpu.memref_slice %arg11[%dma_start3A_17] : memref<6x!tpu.dma_semaphore, #tpu.memory_space<semaphore_mem>> -> memref<1x!tpu.dma_semaphore, #tpu.memory_space<semaphore_mem>>
    %dma_start3A_29 = tpu.memref_squeeze %dma_start3A_28 : memref<1x!tpu.dma_semaphore, #tpu.memory_space<semaphore_mem>> -> memref<!tpu.dma_semaphore, #tpu.memory_space<semaphore_mem>>
    tpu.enqueue_indirect_dma source(%dma_start3A_27 : memref<20000x64xf32, #tpu.memory_space<hbm>>) target(%dma_start3A_21 : memref<128x64xf32, #tpu.memory_space<vmem>>) offsets(%dma_start3A_24 : memref<128xi32, #tpu.memory_space<vmem>>) semaphore(%dma_start3A_29 : memref<!tpu.dma_semaphore, #tpu.memory_space<semaphore_mem>>)
    %dma_start3A_30 = arith.constant 2 : i32
    %dma_start3A_31 = arith.constant 2 : i32
    %dma_start3A_32 = arith.constant 2 : i32
    %dma_start3A_33 = arith.constant 0 : i32
    %dma_start3A_34 = arith.constant 0 : i32
    %dma_start3A_35 = tpu.memref_slice %arg9[%dma_start3A_31, %dma_start3A_33, %dma_start3A_34] : memref<6x128x64xf32, #tpu.memory_space<vmem>> -> memref<1x128x64xf32, #tpu.memory_space<vmem>>
    %dma_start3A_36 = tpu.memref_squeeze %dma_start3A_35 : memref<1x128x64xf32, #tpu.memory_space<vmem>> -> memref<128x64xf32, #tpu.memory_space<vmem>>
    %dma_start3A_37 = arith.constant 0 : i32
    %dma_start3A_38 = tpu.memref_slice %arg7[%dma_start3A_30, %dma_start3A_37] : memref<157x128xi32, #tpu.memory_space<vmem>> -> memref<1x128xi32, #tpu.memory_space<vmem>>
    %dma_start3A_39 = tpu.memref_squeeze %dma_start3A_38 : memref<1x128xi32, #tpu.memory_space<vmem>> -> memref<128xi32, #tpu.memory_space<vmem>>
    %dma_start3A_40 = arith.constant 0 : i32
    %dma_start3A_41 = arith.constant 0 : i32
    %dma_start3A_42 = tpu.memref_slice %arg2[%dma_start3A_40, %dma_start3A_41] : memref<20000x64xf32, #tpu.memory_space<hbm>> -> memref<20000x64xf32, #tpu.memory_space<hbm>>
    %dma_start3A_43 = tpu.memref_slice %arg11[%dma_start3A_32] : memref<6x!tpu.dma_semaphore, #tpu.memory_space<semaphore_mem>> -> memref<1x!tpu.dma_semaphore, #tpu.memory_space<semaphore_mem>>
    %dma_start3A_44 = tpu.memref_squeeze %dma_start3A_43 : memref<1x!tpu.dma_semaphore, #tpu.memory_space<semaphore_mem>> -> memref<!tpu.dma_semaphore, #tpu.memory_space<semaphore_mem>>
    tpu.enqueue_indirect_dma source(%dma_start3A_42 : memref<20000x64xf32, #tpu.memory_space<hbm>>) target(%dma_start3A_36 : memref<128x64xf32, #tpu.memory_space<vmem>>) offsets(%dma_start3A_39 : memref<128xi32, #tpu.memory_space<vmem>>) semaphore(%dma_start3A_44 : memref<!tpu.dma_semaphore, #tpu.memory_space<semaphore_mem>>)
    %dma_start3A_45 = arith.constant 3 : i32
    %dma_start3A_46 = arith.constant 3 : i32
    %dma_start3A_47 = arith.constant 3 : i32
    %dma_start3A_48 = arith.constant 0 : i32
    %dma_start3A_49 = arith.constant 0 : i32
    %dma_start3A_50 = tpu.memref_slice %arg9[%dma_start3A_46, %dma_start3A_48, %dma_start3A_49] : memref<6x128x64xf32, #tpu.memory_space<vmem>> -> memref<1x128x64xf32, #tpu.memory_space<vmem>>
    %dma_start3A_51 = tpu.memref_squeeze %dma_start3A_50 : memref<1x128x64xf32, #tpu.memory_space<vmem>> -> memref<128x64xf32, #tpu.memory_space<vmem>>
    %dma_start3A_52 = arith.constant 0 : i32
    %dma_start3A_53 = tpu.memref_slice %arg7[%dma_start3A_45, %dma_start3A_52] : memref<157x128xi32, #tpu.memory_space<vmem>> -> memref<1x128xi32, #tpu.memory_space<vmem>>
    %dma_start3A_54 = tpu.memref_squeeze %dma_start3A_53 : memref<1x128xi32, #tpu.memory_space<vmem>> -> memref<128xi32, #tpu.memory_space<vmem>>
    %dma_start3A_55 = arith.constant 0 : i32
    %dma_start3A_56 = arith.constant 0 : i32
    %dma_start3A_57 = tpu.memref_slice %arg2[%dma_start3A_55, %dma_start3A_56] : memref<20000x64xf32, #tpu.memory_space<hbm>> -> memref<20000x64xf32, #tpu.memory_space<hbm>>
    %dma_start3A_58 = tpu.memref_slice %arg11[%dma_start3A_47] : memref<6x!tpu.dma_semaphore, #tpu.memory_space<semaphore_mem>> -> memref<1x!tpu.dma_semaphore, #tpu.memory_space<semaphore_mem>>
    %dma_start3A_59 = tpu.memref_squeeze %dma_start3A_58 : memref<1x!tpu.dma_semaphore, #tpu.memory_space<semaphore_mem>> -> memref<!tpu.dma_semaphore, #tpu.memory_space<semaphore_mem>>
    tpu.enqueue_indirect_dma source(%dma_start3A_57 : memref<20000x64xf32, #tpu.memory_space<hbm>>) target(%dma_start3A_51 : memref<128x64xf32, #tpu.memory_space<vmem>>) offsets(%dma_start3A_54 : memref<128xi32, #tpu.memory_space<vmem>>) semaphore(%dma_start3A_59 : memref<!tpu.dma_semaphore, #tpu.memory_space<semaphore_mem>>)
    %dma_start3A_60 = arith.constant 4 : i32
    %dma_start3A_61 = arith.constant 4 : i32
    %dma_start3A_62 = arith.constant 4 : i32
    %dma_start3A_63 = arith.constant 0 : i32
    %dma_start3A_64 = arith.constant 0 : i32
    %dma_start3A_65 = tpu.memref_slice %arg9[%dma_start3A_61, %dma_start3A_63, %dma_start3A_64] : memref<6x128x64xf32, #tpu.memory_space<vmem>> -> memref<1x128x64xf32, #tpu.memory_space<vmem>>
    %dma_start3A_66 = tpu.memref_squeeze %dma_start3A_65 : memref<1x128x64xf32, #tpu.memory_space<vmem>> -> memref<128x64xf32, #tpu.memory_space<vmem>>
    %dma_start3A_67 = arith.constant 0 : i32
    %dma_start3A_68 = tpu.memref_slice %arg7[%dma_start3A_60, %dma_start3A_67] : memref<157x128xi32, #tpu.memory_space<vmem>> -> memref<1x128xi32, #tpu.memory_space<vmem>>
    %dma_start3A_69 = tpu.memref_squeeze %dma_start3A_68 : memref<1x128xi32, #tpu.memory_space<vmem>> -> memref<128xi32, #tpu.memory_space<vmem>>
    %dma_start3A_70 = arith.constant 0 : i32
    %dma_start3A_71 = arith.constant 0 : i32
    %dma_start3A_72 = tpu.memref_slice %arg2[%dma_start3A_70, %dma_start3A_71] : memref<20000x64xf32, #tpu.memory_space<hbm>> -> memref<20000x64xf32, #tpu.memory_space<hbm>>
    %dma_start3A_73 = tpu.memref_slice %arg11[%dma_start3A_62] : memref<6x!tpu.dma_semaphore, #tpu.memory_space<semaphore_mem>> -> memref<1x!tpu.dma_semaphore, #tpu.memory_space<semaphore_mem>>
    %dma_start3A_74 = tpu.memref_squeeze %dma_start3A_73 : memref<1x!tpu.dma_semaphore, #tpu.memory_space<semaphore_mem>> -> memref<!tpu.dma_semaphore, #tpu.memory_space<semaphore_mem>>
    tpu.enqueue_indirect_dma source(%dma_start3A_72 : memref<20000x64xf32, #tpu.memory_space<hbm>>) target(%dma_start3A_66 : memref<128x64xf32, #tpu.memory_space<vmem>>) offsets(%dma_start3A_69 : memref<128xi32, #tpu.memory_space<vmem>>) semaphore(%dma_start3A_74 : memref<!tpu.dma_semaphore, #tpu.memory_space<semaphore_mem>>)
    %scan3A = arith.constant 0 : i32
    %scan3A_75 = arith.constant 0 : i32
    %scan3A_76 = arith.constant 157 : i32
    %scan3A_77 = arith.addi %scan3A_75, %scan3A_76 : i32
    %scan3A_78 = arith.constant 1 : i32
    scf.for %scan3A_99 = %scan3A_75 to %scan3A_77 step %scan3A_78  : i32 {
      %ge3A = arith.constant 1 : i32
      %ge3A_100 = arith.cmpi sge, %scan3A_99, %ge3A : i32
      %convert_element_type3A = arith.extui %ge3A_100 : i1 to i32
      %cond3A = arith.constant 0 : i32
      %cond3A_101 = arith.cmpi ne, %convert_element_type3A, %cond3A : i32
      scf.if %cond3A_101 {
        %sub3A = arith.constant 1 : i32
        %sub3A_157 = arith.subi %scan3A_99, %sub3A : i32
        %jit3A_158 = arith.constant 6 : i32
        %eq3A_159 = arith.constant 0 : i32
        %eq3A_160 = arith.cmpi eq, %jit3A_158, %eq3A_159 : i32
        %jit3A_161 = arith.constant 1 : i32
        %select_n3A_162 = arith.select %eq3A_160, %jit3A_161, %jit3A_158 : i32
        %rem3A_163 = arith.remsi %sub3A_157, %select_n3A_162 : i32
        %ne3A_164 = arith.constant 0 : i32
        %ne3A_165 = arith.cmpi ne, %rem3A_163, %ne3A_164 : i32
        %lt3A_166 = arith.constant 0 : i32
        %lt3A_167 = arith.cmpi slt, %rem3A_163, %lt3A_166 : i32
        %lt3A_168 = arith.constant 0 : i32
        %lt3A_169 = arith.cmpi slt, %select_n3A_162, %lt3A_168 : i32
        %ne3A_170 = arith.xori %lt3A_167, %lt3A_169 : i1
        %and3A_171 = arith.andi %ne3A_170, %ne3A_165 : i1
        %add3A_172 = arith.addi %rem3A_163, %select_n3A_162 : i32
        %select_n3A_173 = arith.select %and3A_171, %add3A_172, %rem3A_163 : i32
        %dma_wait3A_174 = arith.constant 0 : i32
        %dma_wait3A_175 = arith.constant 0 : i32
        %dma_wait3A_176 = tpu.memref_slice %arg9[%select_n3A_173, %dma_wait3A_174, %dma_wait3A_175] : memref<6x128x64xf32, #tpu.memory_space<vmem>> -> memref<1x128x64xf32, #tpu.memory_space<vmem>>
        %dma_wait3A_177 = tpu.memref_squeeze %dma_wait3A_176 : memref<1x128x64xf32, #tpu.memory_space<vmem>> -> memref<128x64xf32, #tpu.memory_space<vmem>>
        %dma_wait3A_178 = arith.constant 0 : i32
        %dma_wait3A_179 = tpu.memref_slice %arg8[%sub3A_157, %dma_wait3A_178] : memref<157x128xi32, #tpu.memory_space<vmem>> -> memref<1x128xi32, #tpu.memory_space<vmem>>
        %dma_wait3A_180 = tpu.memref_squeeze %dma_wait3A_179 : memref<1x128xi32, #tpu.memory_space<vmem>> -> memref<128xi32, #tpu.memory_space<vmem>>
        %dma_wait3A_181 = arith.constant 0 : i32
        %dma_wait3A_182 = arith.constant 0 : i32
        %dma_wait3A_183 = tpu.memref_slice %arg10[%dma_wait3A_181, %dma_wait3A_182] : memref<10112x64xf32, #tpu.memory_space<vmem_shared>> -> memref<10112x64xf32, #tpu.memory_space<vmem_shared>>
        %dma_wait3A_184 = tpu.memref_slice %arg12[%select_n3A_173] : memref<6x!tpu.dma_semaphore, #tpu.memory_space<semaphore_mem>> -> memref<1x!tpu.dma_semaphore, #tpu.memory_space<semaphore_mem>>
        %dma_wait3A_185 = tpu.memref_squeeze %dma_wait3A_184 : memref<1x!tpu.dma_semaphore, #tpu.memory_space<semaphore_mem>> -> memref<!tpu.dma_semaphore, #tpu.memory_space<semaphore_mem>>
        tpu.wait_indirect_dma semaphore(%dma_wait3A_185 : memref<!tpu.dma_semaphore, #tpu.memory_space<semaphore_mem>>) src(%dma_wait3A_177 : memref<128x64xf32, #tpu.memory_space<vmem>>) dst(%dma_wait3A_183 : memref<10112x64xf32, #tpu.memory_space<vmem_shared>>)
      } else {
      }
      %jit3A = arith.constant 6 : i32
      %eq3A = arith.constant 0 : i32
      %eq3A_102 = arith.cmpi eq, %jit3A, %eq3A : i32
      %jit3A_103 = arith.constant 1 : i32
      %select_n3A = arith.select %eq3A_102, %jit3A_103, %jit3A : i32
      %rem3A = arith.remsi %scan3A_99, %select_n3A : i32
      %ne3A = arith.constant 0 : i32
      %ne3A_104 = arith.cmpi ne, %rem3A, %ne3A : i32
      %lt3A = arith.constant 0 : i32
      %lt3A_105 = arith.cmpi slt, %rem3A, %lt3A : i32
      %lt3A_106 = arith.constant 0 : i32
      %lt3A_107 = arith.cmpi slt, %select_n3A, %lt3A_106 : i32
      %ne3A_108 = arith.xori %lt3A_105, %lt3A_107 : i1
      %and3A = arith.andi %ne3A_108, %ne3A_104 : i1
      %add3A = arith.addi %rem3A, %select_n3A : i32
      %select_n3A_109 = arith.select %and3A, %add3A, %rem3A : i32
      %dma_wait3A_110 = arith.constant 0 : i32
      %dma_wait3A_111 = arith.constant 0 : i32
      %dma_wait3A_112 = tpu.memref_slice %arg9[%select_n3A_109, %dma_wait3A_110, %dma_wait3A_111] : memref<6x128x64xf32, #tpu.memory_space<vmem>> -> memref<1x128x64xf32, #tpu.memory_space<vmem>>
      %dma_wait3A_113 = tpu.memref_squeeze %dma_wait3A_112 : memref<1x128x64xf32, #tpu.memory_space<vmem>> -> memref<128x64xf32, #tpu.memory_space<vmem>>
      %dma_wait3A_114 = arith.constant 0 : i32
      %dma_wait3A_115 = tpu.memref_slice %arg7[%scan3A_99, %dma_wait3A_114] : memref<157x128xi32, #tpu.memory_space<vmem>> -> memref<1x128xi32, #tpu.memory_space<vmem>>
      %dma_wait3A_116 = tpu.memref_squeeze %dma_wait3A_115 : memref<1x128xi32, #tpu.memory_space<vmem>> -> memref<128xi32, #tpu.memory_space<vmem>>
      %dma_wait3A_117 = arith.constant 0 : i32
      %dma_wait3A_118 = arith.constant 0 : i32
      %dma_wait3A_119 = tpu.memref_slice %arg2[%dma_wait3A_117, %dma_wait3A_118] : memref<20000x64xf32, #tpu.memory_space<hbm>> -> memref<20000x64xf32, #tpu.memory_space<hbm>>
      %dma_wait3A_120 = tpu.memref_slice %arg11[%select_n3A_109] : memref<6x!tpu.dma_semaphore, #tpu.memory_space<semaphore_mem>> -> memref<1x!tpu.dma_semaphore, #tpu.memory_space<semaphore_mem>>
      %dma_wait3A_121 = tpu.memref_squeeze %dma_wait3A_120 : memref<1x!tpu.dma_semaphore, #tpu.memory_space<semaphore_mem>> -> memref<!tpu.dma_semaphore, #tpu.memory_space<semaphore_mem>>
      tpu.wait_indirect_dma semaphore(%dma_wait3A_121 : memref<!tpu.dma_semaphore, #tpu.memory_space<semaphore_mem>>) src(%dma_wait3A_119 : memref<20000x64xf32, #tpu.memory_space<hbm>>) dst(%dma_wait3A_113 : memref<128x64xf32, #tpu.memory_space<vmem>>)
      %jit3A_122 = arith.constant 6 : i32
      %eq3A_123 = arith.constant 0 : i32
      %eq3A_124 = arith.cmpi eq, %jit3A_122, %eq3A_123 : i32
      %jit3A_125 = arith.constant 1 : i32
      %select_n3A_126 = arith.select %eq3A_124, %jit3A_125, %jit3A_122 : i32
      %rem3A_127 = arith.remsi %scan3A_99, %select_n3A_126 : i32
      %ne3A_128 = arith.constant 0 : i32
      %ne3A_129 = arith.cmpi ne, %rem3A_127, %ne3A_128 : i32
      %lt3A_130 = arith.constant 0 : i32
      %lt3A_131 = arith.cmpi slt, %rem3A_127, %lt3A_130 : i32
      %lt3A_132 = arith.constant 0 : i32
      %lt3A_133 = arith.cmpi slt, %select_n3A_126, %lt3A_132 : i32
      %ne3A_134 = arith.xori %lt3A_131, %lt3A_133 : i1
      %and3A_135 = arith.andi %ne3A_134, %ne3A_129 : i1
      %add3A_136 = arith.addi %rem3A_127, %select_n3A_126 : i32
      %select_n3A_137 = arith.select %and3A_135, %add3A_136, %rem3A_127 : i32
      %dma_start3A_138 = arith.constant 0 : i32
      %dma_start3A_139 = arith.constant 0 : i32
      %dma_start3A_140 = tpu.memref_slice %arg9[%select_n3A_137, %dma_start3A_138, %dma_start3A_139] : memref<6x128x64xf32, #tpu.memory_space<vmem>> -> memref<1x128x64xf32, #tpu.memory_space<vmem>>
      %dma_start3A_141 = tpu.memref_squeeze %dma_start3A_140 : memref<1x128x64xf32, #tpu.memory_space<vmem>> -> memref<128x64xf32, #tpu.memory_space<vmem>>
      %dma_start3A_142 = arith.constant 0 : i32
      %dma_start3A_143 = tpu.memref_slice %arg8[%scan3A_99, %dma_start3A_142] : memref<157x128xi32, #tpu.memory_space<vmem>> -> memref<1x128xi32, #tpu.memory_space<vmem>>
      %dma_start3A_144 = tpu.memref_squeeze %dma_start3A_143 : memref<1x128xi32, #tpu.memory_space<vmem>> -> memref<128xi32, #tpu.memory_space<vmem>>
      %dma_start3A_145 = arith.constant 0 : i32
      %dma_start3A_146 = arith.constant 0 : i32
      %dma_start3A_147 = tpu.memref_slice %arg10[%dma_start3A_145, %dma_start3A_146] : memref<10112x64xf32, #tpu.memory_space<vmem_shared>> -> memref<10112x64xf32, #tpu.memory_space<vmem_shared>>
      %dma_start3A_148 = tpu.memref_slice %arg12[%select_n3A_137] : memref<6x!tpu.dma_semaphore, #tpu.memory_space<semaphore_mem>> -> memref<1x!tpu.dma_semaphore, #tpu.memory_space<semaphore_mem>>
      %dma_start3A_149 = tpu.memref_squeeze %dma_start3A_148 : memref<1x!tpu.dma_semaphore, #tpu.memory_space<semaphore_mem>> -> memref<!tpu.dma_semaphore, #tpu.memory_space<semaphore_mem>>
      tpu.enqueue_indirect_dma source(%dma_start3A_141 : memref<128x64xf32, #tpu.memory_space<vmem>>) target(%dma_start3A_147 : memref<10112x64xf32, #tpu.memory_space<vmem_shared>>) offsets(%dma_start3A_144 : memref<128xi32, #tpu.memory_space<vmem>>) semaphore(%dma_start3A_149 : memref<!tpu.dma_semaphore, #tpu.memory_space<semaphore_mem>>) {add = true}
      %add3A_150 = arith.constant 5 : i32
      %add3A_151 = arith.addi %scan3A_99, %add3A_150 : i32
      %lt3A_152 = arith.constant 157 : i32
      %lt3A_153 = arith.cmpi slt, %add3A_151, %lt3A_152 : i32
      %convert_element_type3A_154 = arith.extui %lt3A_153 : i1 to i32
      %cond3A_155 = arith.constant 0 : i32
      %cond3A_156 = arith.cmpi ne, %convert_element_type3A_154, %cond3A_155 : i32
      scf.if %cond3A_156 {
        %add3A_157 = arith.constant 5 : i32
        %add3A_158 = arith.addi %scan3A_99, %add3A_157 : i32
        %jit3A_159 = arith.constant 6 : i32
        %eq3A_160 = arith.constant 0 : i32
        %eq3A_161 = arith.cmpi eq, %jit3A_159, %eq3A_160 : i32
        %jit3A_162 = arith.constant 1 : i32
        %select_n3A_163 = arith.select %eq3A_161, %jit3A_162, %jit3A_159 : i32
        %rem3A_164 = arith.remsi %add3A_158, %select_n3A_163 : i32
        %ne3A_165 = arith.constant 0 : i32
        %ne3A_166 = arith.cmpi ne, %rem3A_164, %ne3A_165 : i32
        %lt3A_167 = arith.constant 0 : i32
        %lt3A_168 = arith.cmpi slt, %rem3A_164, %lt3A_167 : i32
        %lt3A_169 = arith.constant 0 : i32
        %lt3A_170 = arith.cmpi slt, %select_n3A_163, %lt3A_169 : i32
        %ne3A_171 = arith.xori %lt3A_168, %lt3A_170 : i1
        %and3A_172 = arith.andi %ne3A_171, %ne3A_166 : i1
        %add3A_173 = arith.addi %rem3A_164, %select_n3A_163 : i32
        %select_n3A_174 = arith.select %and3A_172, %add3A_173, %rem3A_164 : i32
        %dma_start3A_175 = arith.constant 0 : i32
        %dma_start3A_176 = arith.constant 0 : i32
        %dma_start3A_177 = tpu.memref_slice %arg9[%select_n3A_174, %dma_start3A_175, %dma_start3A_176] : memref<6x128x64xf32, #tpu.memory_space<vmem>> -> memref<1x128x64xf32, #tpu.memory_space<vmem>>
        %dma_start3A_178 = tpu.memref_squeeze %dma_start3A_177 : memref<1x128x64xf32, #tpu.memory_space<vmem>> -> memref<128x64xf32, #tpu.memory_space<vmem>>
        %dma_start3A_179 = arith.constant 0 : i32
        %dma_start3A_180 = tpu.memref_slice %arg7[%add3A_158, %dma_start3A_179] : memref<157x128xi32, #tpu.memory_space<vmem>> -> memref<1x128xi32, #tpu.memory_space<vmem>>
        %dma_start3A_181 = tpu.memref_squeeze %dma_start3A_180 : memref<1x128xi32, #tpu.memory_space<vmem>> -> memref<128xi32, #tpu.memory_space<vmem>>
        %dma_start3A_182 = arith.constant 0 : i32
        %dma_start3A_183 = arith.constant 0 : i32
        %dma_start3A_184 = tpu.memref_slice %arg2[%dma_start3A_182, %dma_start3A_183] : memref<20000x64xf32, #tpu.memory_space<hbm>> -> memref<20000x64xf32, #tpu.memory_space<hbm>>
        %dma_start3A_185 = tpu.memref_slice %arg11[%select_n3A_174] : memref<6x!tpu.dma_semaphore, #tpu.memory_space<semaphore_mem>> -> memref<1x!tpu.dma_semaphore, #tpu.memory_space<semaphore_mem>>
        %dma_start3A_186 = tpu.memref_squeeze %dma_start3A_185 : memref<1x!tpu.dma_semaphore, #tpu.memory_space<semaphore_mem>> -> memref<!tpu.dma_semaphore, #tpu.memory_space<semaphore_mem>>
        tpu.enqueue_indirect_dma source(%dma_start3A_184 : memref<20000x64xf32, #tpu.memory_space<hbm>>) target(%dma_start3A_178 : memref<128x64xf32, #tpu.memory_space<vmem>>) offsets(%dma_start3A_181 : memref<128xi32, #tpu.memory_space<vmem>>) semaphore(%dma_start3A_186 : memref<!tpu.dma_semaphore, #tpu.memory_space<semaphore_mem>>)
      } else {
      }
    }
    %scan3A_79 = arith.constant 157 : i32
    %dma_wait3A = arith.constant 0 : i32
    %dma_wait3A_80 = arith.constant 156 : i32
    %dma_wait3A_81 = arith.constant 0 : i32
    %dma_wait3A_82 = arith.constant 0 : i32
    %dma_wait3A_83 = arith.constant 0 : i32
    %dma_wait3A_84 = tpu.memref_slice %arg9[%dma_wait3A, %dma_wait3A_82, %dma_wait3A_83] : memref<6x128x64xf32, #tpu.memory_space<vmem>> -> memref<1x128x64xf32, #tpu.memory_space<vmem>>
    %dma_wait3A_85 = tpu.memref_squeeze %dma_wait3A_84 : memref<1x128x64xf32, #tpu.memory_space<vmem>> -> memref<128x64xf32, #tpu.memory_space<vmem>>
    %dma_wait3A_86 = arith.constant 0 : i32
    %dma_wait3A_87 = tpu.memref_slice %arg8[%dma_wait3A_80, %dma_wait3A_86] : memref<157x128xi32, #tpu.memory_space<vmem>> -> memref<1x128xi32, #tpu.memory_space<vmem>>
    %dma_wait3A_88 = tpu.memref_squeeze %dma_wait3A_87 : memref<1x128xi32, #tpu.memory_space<vmem>> -> memref<128xi32, #tpu.memory_space<vmem>>
    %dma_wait3A_89 = arith.constant 0 : i32
    %dma_wait3A_90 = arith.constant 0 : i32
    %dma_wait3A_91 = tpu.memref_slice %arg10[%dma_wait3A_89, %dma_wait3A_90] : memref<10112x64xf32, #tpu.memory_space<vmem_shared>> -> memref<10112x64xf32, #tpu.memory_space<vmem_shared>>
    %dma_wait3A_92 = tpu.memref_slice %arg12[%dma_wait3A_81] : memref<6x!tpu.dma_semaphore, #tpu.memory_space<semaphore_mem>> -> memref<1x!tpu.dma_semaphore, #tpu.memory_space<semaphore_mem>>
    %dma_wait3A_93 = tpu.memref_squeeze %dma_wait3A_92 : memref<1x!tpu.dma_semaphore, #tpu.memory_space<semaphore_mem>> -> memref<!tpu.dma_semaphore, #tpu.memory_space<semaphore_mem>>
    tpu.wait_indirect_dma semaphore(%dma_wait3A_93 : memref<!tpu.dma_semaphore, #tpu.memory_space<semaphore_mem>>) src(%dma_wait3A_85 : memref<128x64xf32, #tpu.memory_space<vmem>>) dst(%dma_wait3A_91 : memref<10112x64xf32, #tpu.memory_space<vmem_shared>>)
    %barrier3A_94 = arith.constant 0 : index
    tpu.barrier barrier_id(%barrier3A_94)
    %mul3A_95 = arith.constant 632 : i32
    %mul3A_96 = arith.muli %arg1, %mul3A_95 : i32
    %mul3A_97 = arith.constant 632 : i32
    %mul3A_98 = arith.muli %arg1, %mul3A_97 : i32
    "tpu.region"() ({
      %run_scoped3A = tpu.sem_alloc : memref<!tpu.dma_semaphore, #tpu.memory_space<semaphore_mem>>
      %dma_start3A_99 = arith.constant 0 : i32
      %dma_start3A_100 = tpu.memref_slice %arg6[%arg0, %mul3A_98, %dma_start3A_99] : memref<2x10112x64xf32, #tpu.memory_space<hbm>> -> memref<1x632x64xf32, #tpu.memory_space<hbm>>
      %dma_start3A_101 = tpu.memref_squeeze %dma_start3A_100 : memref<1x632x64xf32, #tpu.memory_space<hbm>> -> memref<632x64xf32, #tpu.memory_space<hbm>>
      %dma_start3A_102 = arith.constant 0 : i32
      %dma_start3A_103 = tpu.memref_slice %arg10[%mul3A_96, %dma_start3A_102] : memref<10112x64xf32, #tpu.memory_space<vmem_shared>> -> memref<632x64xf32, #tpu.memory_space<vmem_shared>>
      tpu.enqueue_dma source(%dma_start3A_103 : memref<632x64xf32, #tpu.memory_space<vmem_shared>>) target(%dma_start3A_101 : memref<632x64xf32, #tpu.memory_space<hbm>>) target_semaphore(%run_scoped3A : memref<!tpu.dma_semaphore, #tpu.memory_space<semaphore_mem>>)
      %dma_wait3A_104 = arith.constant 0 : i32
      %dma_wait3A_105 = tpu.memref_slice %arg6[%arg0, %mul3A_98, %dma_wait3A_104] : memref<2x10112x64xf32, #tpu.memory_space<hbm>> -> memref<1x632x64xf32, #tpu.memory_space<hbm>>
      %dma_wait3A_106 = tpu.memref_squeeze %dma_wait3A_105 : memref<1x632x64xf32, #tpu.memory_space<hbm>> -> memref<632x64xf32, #tpu.memory_space<hbm>>
      %dma_wait3A_107 = arith.constant 0 : i32
      %dma_wait3A_108 = tpu.memref_slice %arg10[%mul3A_96, %dma_wait3A_107] : memref<10112x64xf32, #tpu.memory_space<vmem_shared>> -> memref<632x64xf32, #tpu.memory_space<vmem_shared>>
      tpu.wait_dma2 semaphore(%run_scoped3A : memref<!tpu.dma_semaphore, #tpu.memory_space<semaphore_mem>>) src(%dma_wait3A_108 : memref<632x64xf32, #tpu.memory_space<vmem_shared>>) dst(%dma_wait3A_106 : memref<632x64xf32, #tpu.memory_space<hbm>>)
      tpu.yield
    }) : () -> ()
    return
  }
}

#map = affine_map<(d0, d1) -> (0, 0, 0)>
#map1 = affine_map<(d0, d1) -> (0)>
#map2 = affine_map<(d0, d1) -> (0, 0)>
module attributes {stable_mosaic.version = 14 : i64} {
  func.func @_deg_kernel(%arg0: i32, %arg1: i32, %arg2: memref<32x79x128xi32, #tpu.memory_space<hbm>>, %arg3: memref<640xf32, #tpu.memory_space<hbm>>, %arg4: memref<2x10240xf32, #tpu.memory_space<hbm>>, %arg5: memref<79x128xi32, #tpu.memory_space<vmem>>, %arg6: memref<128xf32, #tpu.memory_space<vmem>>, %arg7: memref<10240xf32, #tpu.memory_space<vmem_shared>>) attributes {dimension_semantics = [#tpu.dimension_semantics<core_parallel>, #tpu.dimension_semantics<subcore_parallel>], iteration_bounds = array<i64: 2, 16>, scalar_prefetch = 0 : i64, scratch_operands = 3 : i64, tpu.core_type = #tpu.core_type<sc_vector_subcore>, window_params = [{transform_indices = #map}, {transform_indices = #map1}, {transform_indices = #map2}]} {
    %mul3A = arith.constant 2 : i32
    %mul3A_0 = arith.muli %arg1, %mul3A : i32
    %add3A = arith.addi %mul3A_0, %arg0 : i32
    %mul3A_1 = arith.constant 640 : i32
    %mul3A_2 = arith.muli %arg1, %mul3A_1 : i32
    "tpu.region"() ({
      %run_scoped3A = tpu.sem_alloc : memref<!tpu.dma_semaphore, #tpu.memory_space<semaphore_mem>>
      %dma_start3A = tpu.memref_slice %arg7[%mul3A_2] : memref<10240xf32, #tpu.memory_space<vmem_shared>> -> memref<640xf32, #tpu.memory_space<vmem_shared>>
      tpu.enqueue_dma source(%arg3 : memref<640xf32, #tpu.memory_space<hbm>>) target(%dma_start3A : memref<640xf32, #tpu.memory_space<vmem_shared>>) target_semaphore(%run_scoped3A : memref<!tpu.dma_semaphore, #tpu.memory_space<semaphore_mem>>)
      %dma_wait3A = tpu.memref_slice %arg7[%mul3A_2] : memref<10240xf32, #tpu.memory_space<vmem_shared>> -> memref<640xf32, #tpu.memory_space<vmem_shared>>
      tpu.wait_dma2 semaphore(%run_scoped3A : memref<!tpu.dma_semaphore, #tpu.memory_space<semaphore_mem>>) src(%arg3 : memref<640xf32, #tpu.memory_space<hbm>>) dst(%dma_wait3A : memref<640xf32, #tpu.memory_space<vmem_shared>>)
      tpu.yield
    }) : () -> ()
    %broadcast_in_dim3A = arith.constant 1.000000e+00 : f32
    %broadcast_in_dim3A_3 = vector.broadcast %broadcast_in_dim3A : f32 to vector<16xf32>
    %swap3A = arith.constant 0 : index
    %swap3A_4 = tpu.vector_load %arg6[%swap3A] {strides = array<i32>} : memref<128xf32, #tpu.memory_space<vmem>>, vector<16xf32>,
    %swap3A_5 = vector.shape_cast %swap3A_4 : vector<16xf32> to vector<16xf32>
    %swap3A_6 = vector.shape_cast %broadcast_in_dim3A_3 : vector<16xf32> to vector<16xf32>
    tpu.vector_store %arg6[%swap3A], %swap3A_6 {strides = array<i32>} : memref<128xf32, #tpu.memory_space<vmem>>, vector<16xf32>,
    %broadcast_in_dim3A_7 = arith.constant 1.000000e+00 : f32
    %broadcast_in_dim3A_8 = vector.broadcast %broadcast_in_dim3A_7 : f32 to vector<16xf32>
    %swap3A_9 = arith.constant 16 : index
    %swap3A_10 = tpu.vector_load %arg6[%swap3A_9] {strides = array<i32>} : memref<128xf32, #tpu.memory_space<vmem>>, vector<16xf32>,
    %swap3A_11 = vector.shape_cast %swap3A_10 : vector<16xf32> to vector<16xf32>
    %swap3A_12 = vector.shape_cast %broadcast_in_dim3A_8 : vector<16xf32> to vector<16xf32>
    tpu.vector_store %arg6[%swap3A_9], %swap3A_12 {strides = array<i32>} : memref<128xf32, #tpu.memory_space<vmem>>, vector<16xf32>,
    %broadcast_in_dim3A_13 = arith.constant 1.000000e+00 : f32
    %broadcast_in_dim3A_14 = vector.broadcast %broadcast_in_dim3A_13 : f32 to vector<16xf32>
    %swap3A_15 = arith.constant 32 : index
    %swap3A_16 = tpu.vector_load %arg6[%swap3A_15] {strides = array<i32>} : memref<128xf32, #tpu.memory_space<vmem>>, vector<16xf32>,
    %swap3A_17 = vector.shape_cast %swap3A_16 : vector<16xf32> to vector<16xf32>
    %swap3A_18 = vector.shape_cast %broadcast_in_dim3A_14 : vector<16xf32> to vector<16xf32>
    tpu.vector_store %arg6[%swap3A_15], %swap3A_18 {strides = array<i32>} : memref<128xf32, #tpu.memory_space<vmem>>, vector<16xf32>,
    %broadcast_in_dim3A_19 = arith.constant 1.000000e+00 : f32
    %broadcast_in_dim3A_20 = vector.broadcast %broadcast_in_dim3A_19 : f32 to vector<16xf32>
    %swap3A_21 = arith.constant 48 : index
    %swap3A_22 = tpu.vector_load %arg6[%swap3A_21] {strides = array<i32>} : memref<128xf32, #tpu.memory_space<vmem>>, vector<16xf32>,
    %swap3A_23 = vector.shape_cast %swap3A_22 : vector<16xf32> to vector<16xf32>
    %swap3A_24 = vector.shape_cast %broadcast_in_dim3A_20 : vector<16xf32> to vector<16xf32>
    tpu.vector_store %arg6[%swap3A_21], %swap3A_24 {strides = array<i32>} : memref<128xf32, #tpu.memory_space<vmem>>, vector<16xf32>,
    %broadcast_in_dim3A_25 = arith.constant 1.000000e+00 : f32
    %broadcast_in_dim3A_26 = vector.broadcast %broadcast_in_dim3A_25 : f32 to vector<16xf32>
    %swap3A_27 = arith.constant 64 : index
    %swap3A_28 = tpu.vector_load %arg6[%swap3A_27] {strides = array<i32>} : memref<128xf32, #tpu.memory_space<vmem>>, vector<16xf32>,
    %swap3A_29 = vector.shape_cast %swap3A_28 : vector<16xf32> to vector<16xf32>
    %swap3A_30 = vector.shape_cast %broadcast_in_dim3A_26 : vector<16xf32> to vector<16xf32>
    tpu.vector_store %arg6[%swap3A_27], %swap3A_30 {strides = array<i32>} : memref<128xf32, #tpu.memory_space<vmem>>, vector<16xf32>,
    %broadcast_in_dim3A_31 = arith.constant 1.000000e+00 : f32
    %broadcast_in_dim3A_32 = vector.broadcast %broadcast_in_dim3A_31 : f32 to vector<16xf32>
    %swap3A_33 = arith.constant 80 : index
    %swap3A_34 = tpu.vector_load %arg6[%swap3A_33] {strides = array<i32>} : memref<128xf32, #tpu.memory_space<vmem>>, vector<16xf32>,
    %swap3A_35 = vector.shape_cast %swap3A_34 : vector<16xf32> to vector<16xf32>
    %swap3A_36 = vector.shape_cast %broadcast_in_dim3A_32 : vector<16xf32> to vector<16xf32>
    tpu.vector_store %arg6[%swap3A_33], %swap3A_36 {strides = array<i32>} : memref<128xf32, #tpu.memory_space<vmem>>, vector<16xf32>,
    %broadcast_in_dim3A_37 = arith.constant 1.000000e+00 : f32
    %broadcast_in_dim3A_38 = vector.broadcast %broadcast_in_dim3A_37 : f32 to vector<16xf32>
    %swap3A_39 = arith.constant 96 : index
    %swap3A_40 = tpu.vector_load %arg6[%swap3A_39] {strides = array<i32>} : memref<128xf32, #tpu.memory_space<vmem>>, vector<16xf32>,
    %swap3A_41 = vector.shape_cast %swap3A_40 : vector<16xf32> to vector<16xf32>
    %swap3A_42 = vector.shape_cast %broadcast_in_dim3A_38 : vector<16xf32> to vector<16xf32>
    tpu.vector_store %arg6[%swap3A_39], %swap3A_42 {strides = array<i32>} : memref<128xf32, #tpu.memory_space<vmem>>, vector<16xf32>,
    %broadcast_in_dim3A_43 = arith.constant 1.000000e+00 : f32
    %broadcast_in_dim3A_44 = vector.broadcast %broadcast_in_dim3A_43 : f32 to vector<16xf32>
    %swap3A_45 = arith.constant 112 : index
    %swap3A_46 = tpu.vector_load %arg6[%swap3A_45] {strides = array<i32>} : memref<128xf32, #tpu.memory_space<vmem>>, vector<16xf32>,
    %swap3A_47 = vector.shape_cast %swap3A_46 : vector<16xf32> to vector<16xf32>
    %swap3A_48 = vector.shape_cast %broadcast_in_dim3A_44 : vector<16xf32> to vector<16xf32>
    tpu.vector_store %arg6[%swap3A_45], %swap3A_48 {strides = array<i32>} : memref<128xf32, #tpu.memory_space<vmem>>, vector<16xf32>,
    "tpu.region"() ({
      %run_scoped3A = tpu.sem_alloc : memref<!tpu.dma_semaphore, #tpu.memory_space<semaphore_mem>>
      %dma_start3A = arith.constant 0 : i32
      %dma_start3A_59 = arith.constant 0 : i32
      %dma_start3A_60 = tpu.memref_slice %arg2[%add3A, %dma_start3A, %dma_start3A_59] : memref<32x79x128xi32, #tpu.memory_space<hbm>> -> memref<1x79x128xi32, #tpu.memory_space<hbm>>
      %dma_start3A_61 = tpu.memref_squeeze %dma_start3A_60 : memref<1x79x128xi32, #tpu.memory_space<hbm>> -> memref<79x128xi32, #tpu.memory_space<hbm>>
      %dma_start3A_62 = arith.constant 0 : i32
      %dma_start3A_63 = arith.constant 0 : i32
      %dma_start3A_64 = tpu.memref_slice %arg2[%add3A, %dma_start3A_62, %dma_start3A_63] : memref<32x79x128xi32, #tpu.memory_space<hbm>> -> memref<1x79x128xi32, #tpu.memory_space<hbm>>
      %dma_start3A_65 = tpu.memref_squeeze %dma_start3A_64 : memref<1x79x128xi32, #tpu.memory_space<hbm>> -> memref<79x128xi32, #tpu.memory_space<hbm>>
      tpu.enqueue_dma source(%dma_start3A_65 : memref<79x128xi32, #tpu.memory_space<hbm>>) target(%arg5 : memref<79x128xi32, #tpu.memory_space<vmem>>) target_semaphore(%run_scoped3A : memref<!tpu.dma_semaphore, #tpu.memory_space<semaphore_mem>>)
      %dma_wait3A = arith.constant 0 : i32
      %dma_wait3A_66 = arith.constant 0 : i32
      %dma_wait3A_67 = tpu.memref_slice %arg2[%add3A, %dma_wait3A, %dma_wait3A_66] : memref<32x79x128xi32, #tpu.memory_space<hbm>> -> memref<1x79x128xi32, #tpu.memory_space<hbm>>
      %dma_wait3A_68 = tpu.memref_squeeze %dma_wait3A_67 : memref<1x79x128xi32, #tpu.memory_space<hbm>> -> memref<79x128xi32, #tpu.memory_space<hbm>>
      %dma_wait3A_69 = arith.constant 0 : i32
      %dma_wait3A_70 = arith.constant 0 : i32
      %dma_wait3A_71 = tpu.memref_slice %arg2[%add3A, %dma_wait3A_69, %dma_wait3A_70] : memref<32x79x128xi32, #tpu.memory_space<hbm>> -> memref<1x79x128xi32, #tpu.memory_space<hbm>>
      %dma_wait3A_72 = tpu.memref_squeeze %dma_wait3A_71 : memref<1x79x128xi32, #tpu.memory_space<hbm>> -> memref<79x128xi32, #tpu.memory_space<hbm>>
      tpu.wait_dma2 semaphore(%run_scoped3A : memref<!tpu.dma_semaphore, #tpu.memory_space<semaphore_mem>>) src(%dma_wait3A_72 : memref<79x128xi32, #tpu.memory_space<hbm>>) dst(%arg5 : memref<79x128xi32, #tpu.memory_space<vmem>>)
      tpu.yield
    }) : () -> ()
    %barrier3A = arith.constant 0 : index
    tpu.barrier barrier_id(%barrier3A)
    %scan3A = arith.constant 0 : i32
    %scan3A_49 = arith.constant 0 : i32
    %scan3A_50 = arith.constant 79 : i32
    %scan3A_51 = arith.addi %scan3A_49, %scan3A_50 : i32
    %scan3A_52 = arith.constant 1 : i32
    scf.for %scan3A_59 = %scan3A_49 to %scan3A_51 step %scan3A_52  : i32 {
      "tpu.region"() ({
        %run_scoped3A = tpu.sem_alloc : memref<!tpu.dma_semaphore, #tpu.memory_space<semaphore_mem>>
        %dma_start3A = arith.constant 0 : i32
        %dma_start3A_60 = tpu.memref_slice %arg5[%scan3A_59, %dma_start3A] : memref<79x128xi32, #tpu.memory_space<vmem>> -> memref<1x128xi32, #tpu.memory_space<vmem>>
        %dma_start3A_61 = tpu.memref_squeeze %dma_start3A_60 : memref<1x128xi32, #tpu.memory_space<vmem>> -> memref<128xi32, #tpu.memory_space<vmem>>
        %dma_start3A_62 = arith.constant 0 : i32
        %dma_start3A_63 = tpu.memref_slice %arg7[%dma_start3A_62] : memref<10240xf32, #tpu.memory_space<vmem_shared>> -> memref<10240xf32, #tpu.memory_space<vmem_shared>>
        tpu.enqueue_indirect_dma source(%arg6 : memref<128xf32, #tpu.memory_space<vmem>>) target(%dma_start3A_63 : memref<10240xf32, #tpu.memory_space<vmem_shared>>) offsets(%dma_start3A_61 : memref<128xi32, #tpu.memory_space<vmem>>) semaphore(%run_scoped3A : memref<!tpu.dma_semaphore, #tpu.memory_space<semaphore_mem>>) {add = true}
        %dma_wait3A = arith.constant 0 : i32
        %dma_wait3A_64 = tpu.memref_slice %arg5[%scan3A_59, %dma_wait3A] : memref<79x128xi32, #tpu.memory_space<vmem>> -> memref<1x128xi32, #tpu.memory_space<vmem>>
        %dma_wait3A_65 = tpu.memref_squeeze %dma_wait3A_64 : memref<1x128xi32, #tpu.memory_space<vmem>> -> memref<128xi32, #tpu.memory_space<vmem>>
        %dma_wait3A_66 = arith.constant 0 : i32
        %dma_wait3A_67 = tpu.memref_slice %arg7[%dma_wait3A_66] : memref<10240xf32, #tpu.memory_space<vmem_shared>> -> memref<10240xf32, #tpu.memory_space<vmem_shared>>
        tpu.wait_indirect_dma semaphore(%run_scoped3A : memref<!tpu.dma_semaphore, #tpu.memory_space<semaphore_mem>>) src(%arg6 : memref<128xf32, #tpu.memory_space<vmem>>) dst(%dma_wait3A_67 : memref<10240xf32, #tpu.memory_space<vmem_shared>>)
        tpu.yield
      }) : () -> ()
    }
    %scan3A_53 = arith.constant 79 : i32
    %barrier3A_54 = arith.constant 0 : index
    tpu.barrier barrier_id(%barrier3A_54)
    %mul3A_55 = arith.constant 640 : i32
    %mul3A_56 = arith.muli %arg1, %mul3A_55 : i32
    %mul3A_57 = arith.constant 640 : i32
    %mul3A_58 = arith.muli %arg1, %mul3A_57 : i32
    "tpu.region"() ({
      %run_scoped3A = tpu.sem_alloc : memref<!tpu.dma_semaphore, #tpu.memory_space<semaphore_mem>>
      %dma_start3A = tpu.memref_slice %arg4[%arg0, %mul3A_58] : memref<2x10240xf32, #tpu.memory_space<hbm>> -> memref<1x640xf32, #tpu.memory_space<hbm>>
      %dma_start3A_59 = tpu.memref_squeeze %dma_start3A : memref<1x640xf32, #tpu.memory_space<hbm>> -> memref<640xf32, #tpu.memory_space<hbm>>
      %dma_start3A_60 = tpu.memref_slice %arg7[%mul3A_56] : memref<10240xf32, #tpu.memory_space<vmem_shared>> -> memref<640xf32, #tpu.memory_space<vmem_shared>>
      tpu.enqueue_dma source(%dma_start3A_60 : memref<640xf32, #tpu.memory_space<vmem_shared>>) target(%dma_start3A_59 : memref<640xf32, #tpu.memory_space<hbm>>) target_semaphore(%run_scoped3A : memref<!tpu.dma_semaphore, #tpu.memory_space<semaphore_mem>>)
      %dma_wait3A = tpu.memref_slice %arg4[%arg0, %mul3A_58] : memref<2x10240xf32, #tpu.memory_space<hbm>> -> memref<1x640xf32, #tpu.memory_space<hbm>>
      %dma_wait3A_61 = tpu.memref_squeeze %dma_wait3A : memref<1x640xf32, #tpu.memory_space<hbm>> -> memref<640xf32, #tpu.memory_space<hbm>>
      %dma_wait3A_62 = tpu.memref_slice %arg7[%mul3A_56] : memref<10240xf32, #tpu.memory_space<vmem_shared>> -> memref<640xf32, #tpu.memory_space<vmem_shared>>
      tpu.wait_dma2 semaphore(%run_scoped3A : memref<!tpu.dma_semaphore, #tpu.memory_space<semaphore_mem>>) src(%dma_wait3A_62 : memref<640xf32, #tpu.memory_space<vmem_shared>>) dst(%dma_wait3A_61 : memref<640xf32, #tpu.memory_space<hbm>>)
      tpu.yield
    }) : () -> ()
    return
  }
}

module attributes {stable_mosaic.version = 14 : i64} {
  func.func @_tca_body(%arg0: i32, %arg1: memref<1000x1xf32, #tpu.memory_space<vmem>>, %arg2: memref<1000x128xf32, #tpu.memory_space<vmem>>, %arg3: memref<128x128xf32, #tpu.memory_space<vmem>>, %arg4: memref<1000x128xf32, #tpu.memory_space<vmem>>, %arg5: memref<1000x1xf32, #tpu.memory_space<vmem>>) attributes {dimension_semantics = [#tpu.dimension_semantics<arbitrary>], iteration_bounds = array<i64: 10>, scalar_prefetch = 0 : i64, scratch_operands = 0 : i64, tpu.core_type = #tpu.core_type<tc>, window_params = [{transform_indices = @transform_0, window_bounds = array<i64: 1000, 1>}, {transform_indices = @transform_1, window_bounds = array<i64: 1000, 128>}, {pipeline_mode = #tpu.pipeline_mode<synchronous>, transform_indices = @transform_2, window_bounds = array<i64: 128, 128>}, {transform_indices = @transform_3, window_bounds = array<i64: 1000, 128>}, {transform_indices = @transform_4, window_bounds = array<i64: 1000, 1>}]} {
    %get3A = arith.constant 0 : index
    %get3A_0 = arith.constant 0 : index
    %get3A_1 = vector.load %arg1[%get3A, %get3A_0] : memref<1000x1xf32, #tpu.memory_space<vmem>>, vector<1000x1xf32>
    %add3A = arith.constant 1.000000e+00 : f32
    %add3A_2 = vector.broadcast %add3A : f32 to vector<1000x1xf32>
    %add3A_3 = arith.addf %get3A_1, %add3A_2 : vector<1000x1xf32>
    %rsqrt3A = math.rsqrt %add3A_3 : vector<1000x1xf32>
    %get3A_4 = arith.constant 0 : index
    %get3A_5 = arith.constant 0 : index
    %get3A_6 = vector.load %arg2[%get3A_4, %get3A_5] : memref<1000x128xf32, #tpu.memory_space<vmem>>, vector<1000x128xf32>
    %get3A_7 = arith.constant 0 : index
    %get3A_8 = arith.constant 0 : index
    %get3A_9 = vector.load %arg3[%get3A_7, %get3A_8] : memref<128x128xf32, #tpu.memory_space<vmem>>, vector<128x128xf32>
    %dot_general3A = arith.constant dense<0.000000e+00> : vector<1000x128xf32>
    %dot_general3A_10 = tpu.matmul %get3A_6, %get3A_9, %dot_general3A {dimension_numbers = #tpu.dot_dimension_numbers<[1], [0], [0], [1], [0, 0, 1, 1], [], []>, transpose_lhs_hint = false} : vector<1000x128xf32>, vector<128x128xf32>, vector<1000x128xf32> -> vector<1000x128xf32>
    %mul3A = vector.broadcast %rsqrt3A : vector<1000x1xf32> to vector<1000x128xf32>
    %mul3A_11 = arith.mulf %mul3A, %dot_general3A_10 : vector<1000x128xf32>
    %swap3A = arith.constant 0 : index
    %swap3A_12 = arith.constant 0 : index
    %swap3A_13 = vector.load %arg4[%swap3A, %swap3A_12] : memref<1000x128xf32, #tpu.memory_space<vmem>>, vector<1000x128xf32>
    tpu.vector_store %arg4[%swap3A, %swap3A_12], %mul3A_11 {strides = array<i32>} : memref<1000x128xf32, #tpu.memory_space<vmem>>, vector<1000x128xf32>,
    %swap3A_14 = arith.constant 0 : index
    %swap3A_15 = arith.constant 0 : index
    %swap3A_16 = vector.load %arg5[%swap3A_14, %swap3A_15] : memref<1000x1xf32, #tpu.memory_space<vmem>>, vector<1000x1xf32>
    tpu.vector_store %arg5[%swap3A_14, %swap3A_15], %rsqrt3A {strides = array<i32>} : memref<1000x1xf32, #tpu.memory_space<vmem>>, vector<1000x1xf32>,
    return
  }
  func.func @transform_0(%arg0: i32) -> (i32, i32) {
    %c0_i32 = arith.constant 0 : i32
    %c0_i32_0 = arith.constant 0 : i32
    return %arg0, %c0_i32 : i32, i32
  }
  func.func @transform_1(%arg0: i32) -> (i32, i32) {
    %c0_i32 = arith.constant 0 : i32
    %c0_i32_0 = arith.constant 0 : i32
    return %arg0, %c0_i32 : i32, i32
  }
  func.func @transform_2(%arg0: i32) -> (i32, i32) {
    %c0_i32 = arith.constant 0 : i32
    %c0_i32_0 = arith.constant 0 : i32
    %c0_i32_1 = arith.constant 0 : i32
    return %c0_i32, %c0_i32_0 : i32, i32
  }
  func.func @transform_3(%arg0: i32) -> (i32, i32) {
    %c0_i32 = arith.constant 0 : i32
    %c0_i32_0 = arith.constant 0 : i32
    return %arg0, %c0_i32 : i32, i32
  }
  func.func @transform_4(%arg0: i32) -> (i32, i32) {
    %c0_i32 = arith.constant 0 : i32
    %c0_i32_0 = arith.constant 0 : i32
    return %arg0, %c0_i32 : i32, i32
  }
}

module attributes {stable_mosaic.version = 14 : i64} {
  func.func @_tcb_body(%arg0: i32, %arg1: memref<2x1000x64xf32, #tpu.memory_space<vmem>>, %arg2: memref<1000x128xf32, #tpu.memory_space<vmem>>, %arg3: memref<1000x1xf32, #tpu.memory_space<vmem>>, %arg4: memref<1x128xf32, #tpu.memory_space<vmem>>, %arg5: memref<128x128xf32, #tpu.memory_space<vmem>>, %arg6: memref<1000x128xf32, #tpu.memory_space<vmem>>, %arg7: memref<1000x128xf32, #tpu.memory_space<vmem>>) attributes {dimension_semantics = [#tpu.dimension_semantics<arbitrary>], iteration_bounds = array<i64: 10>, scalar_prefetch = 0 : i64, scratch_operands = 0 : i64, tpu.core_type = #tpu.core_type<tc>, window_params = [{transform_indices = @transform_0, window_bounds = array<i64: 2, 1000, 64>}, {transform_indices = @transform_1, window_bounds = array<i64: 1000, 128>}, {transform_indices = @transform_2, window_bounds = array<i64: 1000, 1>}, {pipeline_mode = #tpu.pipeline_mode<synchronous>, transform_indices = @transform_3, window_bounds = array<i64: 1, 128>}, {pipeline_mode = #tpu.pipeline_mode<synchronous>, transform_indices = @transform_4, window_bounds = array<i64: 128, 128>}, {transform_indices = @transform_5, window_bounds = array<i64: 1000, 128>}, {transform_indices = @transform_6, window_bounds = array<i64: 1000, 128>}]} {
    %get3A = arith.constant 0 : index
    %get3A_0 = arith.constant 0 : index
    %get3A_1 = vector.load %arg3[%get3A, %get3A_0] : memref<1000x1xf32, #tpu.memory_space<vmem>>, vector<1000x1xf32>
    %get3A_2 = arith.constant 0 : index
    %get3A_3 = arith.constant 0 : index
    %get3A_4 = arith.constant 0 : index
    %get3A_5 = vector.load %arg1[%get3A_2, %get3A_3, %get3A_4] : memref<2x1000x64xf32, #tpu.memory_space<vmem>>, vector<1x1000x64xf32>
    %get3A_6 = vector.shape_cast %get3A_5 : vector<1x1000x64xf32> to vector<1000x64xf32>
    %get3A_7 = arith.constant 1 : index
    %get3A_8 = arith.constant 0 : index
    %get3A_9 = arith.constant 0 : index
    %get3A_10 = vector.load %arg1[%get3A_7, %get3A_8, %get3A_9] : memref<2x1000x64xf32, #tpu.memory_space<vmem>>, vector<1x1000x64xf32>
    %get3A_11 = vector.shape_cast %get3A_10 : vector<1x1000x64xf32> to vector<1000x64xf32>
    %concatenate3A = tpu.concatenate %get3A_6, %get3A_11 in 1 : vector<1000x64xf32>, vector<1000x64xf32> -> vector<1000x128xf32>
    %get3A_12 = arith.constant 0 : index
    %get3A_13 = arith.constant 0 : index
    %get3A_14 = vector.load %arg2[%get3A_12, %get3A_13] : memref<1000x128xf32, #tpu.memory_space<vmem>>, vector<1000x128xf32>
    %add3A = arith.addf %concatenate3A, %get3A_14 : vector<1000x128xf32>
    %mul3A = vector.broadcast %get3A_1 : vector<1000x1xf32> to vector<1000x128xf32>
    %mul3A_15 = arith.mulf %mul3A, %add3A : vector<1000x128xf32>
    %get3A_16 = arith.constant 0 : index
    %get3A_17 = arith.constant 0 : index
    %get3A_18 = vector.load %arg4[%get3A_16, %get3A_17] : memref<1x128xf32, #tpu.memory_space<vmem>>, vector<1x128xf32>
    %add3A_19 = vector.broadcast %get3A_18 : vector<1x128xf32> to vector<1000x128xf32>
    %add3A_20 = arith.addf %mul3A_15, %add3A_19 : vector<1000x128xf32>
    %ge3A = arith.constant 0.000000e+00 : f32
    %ge3A_21 = vector.broadcast %ge3A : f32 to vector<1000x128xf32>
    %ge3A_22 = arith.cmpf oge, %add3A_20, %ge3A_21 : vector<1000x128xf32>
    %mul3A_23 = arith.constant 0.00999999977 : f32
    %mul3A_24 = vector.broadcast %mul3A_23 : f32 to vector<1000x128xf32>
    %mul3A_25 = arith.mulf %mul3A_24, %add3A_20 : vector<1000x128xf32>
    %select_n3A = arith.select %ge3A_22, %add3A_20, %mul3A_25 : vector<1000x128xi1>, vector<1000x128xf32>
    %swap3A = arith.constant 0 : index
    %swap3A_26 = arith.constant 0 : index
    %swap3A_27 = vector.load %arg6[%swap3A, %swap3A_26] : memref<1000x128xf32, #tpu.memory_space<vmem>>, vector<1000x128xf32>
    tpu.vector_store %arg6[%swap3A, %swap3A_26], %select_n3A {strides = array<i32>} : memref<1000x128xf32, #tpu.memory_space<vmem>>, vector<1000x128xf32>,
    %get3A_28 = arith.constant 0 : index
    %get3A_29 = arith.constant 0 : index
    %get3A_30 = vector.load %arg5[%get3A_28, %get3A_29] : memref<128x128xf32, #tpu.memory_space<vmem>>, vector<128x128xf32>
    %dot_general3A = arith.constant dense<0.000000e+00> : vector<1000x128xf32>
    %dot_general3A_31 = tpu.matmul %select_n3A, %get3A_30, %dot_general3A {dimension_numbers = #tpu.dot_dimension_numbers<[1], [0], [0], [1], [0, 0, 1, 1], [], []>, transpose_lhs_hint = false} : vector<1000x128xf32>, vector<128x128xf32>, vector<1000x128xf32> -> vector<1000x128xf32>
    %mul3A_32 = vector.broadcast %get3A_1 : vector<1000x1xf32> to vector<1000x128xf32>
    %mul3A_33 = arith.mulf %mul3A_32, %dot_general3A_31 : vector<1000x128xf32>
    %swap3A_34 = arith.constant 0 : index
    %swap3A_35 = arith.constant 0 : index
    %swap3A_36 = vector.load %arg7[%swap3A_34, %swap3A_35] : memref<1000x128xf32, #tpu.memory_space<vmem>>, vector<1000x128xf32>
    tpu.vector_store %arg7[%swap3A_34, %swap3A_35], %mul3A_33 {strides = array<i32>} : memref<1000x128xf32, #tpu.memory_space<vmem>>, vector<1000x128xf32>,
    return
  }
  func.func @transform_0(%arg0: i32) -> (i32, i32, i32) {
    %c0_i32 = arith.constant 0 : i32
    %c0_i32_0 = arith.constant 0 : i32
    %c0_i32_1 = arith.constant 0 : i32
    return %c0_i32, %arg0, %c0_i32_0 : i32, i32, i32
  }
  func.func @transform_1(%arg0: i32) -> (i32, i32) {
    %c0_i32 = arith.constant 0 : i32
    %c0_i32_0 = arith.constant 0 : i32
    return %arg0, %c0_i32 : i32, i32
  }
  func.func @transform_2(%arg0: i32) -> (i32, i32) {
    %c0_i32 = arith.constant 0 : i32
    %c0_i32_0 = arith.constant 0 : i32
    return %arg0, %c0_i32 : i32, i32
  }
  func.func @transform_3(%arg0: i32) -> (i32, i32) {
    %c0_i32 = arith.constant 0 : i32
    %c0_i32_0 = arith.constant 0 : i32
    %c0_i32_1 = arith.constant 0 : i32
    return %c0_i32, %c0_i32_0 : i32, i32
  }
  func.func @transform_4(%arg0: i32) -> (i32, i32) {
    %c0_i32 = arith.constant 0 : i32
    %c0_i32_0 = arith.constant 0 : i32
    %c0_i32_1 = arith.constant 0 : i32
    return %c0_i32, %c0_i32_0 : i32, i32
  }
  func.func @transform_5(%arg0: i32) -> (i32, i32) {
    %c0_i32 = arith.constant 0 : i32
    %c0_i32_0 = arith.constant 0 : i32
    return %arg0, %c0_i32 : i32, i32
  }
  func.func @transform_6(%arg0: i32) -> (i32, i32) {
    %c0_i32 = arith.constant 0 : i32
    %c0_i32_0 = arith.constant 0 : i32
    return %arg0, %c0_i32 : i32, i32
  }
}

module attributes {stable_mosaic.version = 14 : i64} {
  func.func @_tcc_body(%arg0: i32, %arg1: memref<2x1000x64xf32, #tpu.memory_space<vmem>>, %arg2: memref<1000x128xf32, #tpu.memory_space<vmem>>, %arg3: memref<1000x128xf32, #tpu.memory_space<vmem>>, %arg4: memref<1000x1xf32, #tpu.memory_space<vmem>>, %arg5: memref<1x128xf32, #tpu.memory_space<vmem>>, %arg6: memref<128x128xf32, #tpu.memory_space<vmem>>, %arg7: memref<1x128xf32, #tpu.memory_space<vmem>>, %arg8: memref<128x128xf32, #tpu.memory_space<vmem>>, %arg9: memref<1x128xf32, #tpu.memory_space<vmem>>, %arg10: memref<1000x128xf32, #tpu.memory_space<vmem>>) attributes {dimension_semantics = [#tpu.dimension_semantics<arbitrary>], iteration_bounds = array<i64: 10>, scalar_prefetch = 0 : i64, scratch_operands = 0 : i64, tpu.core_type = #tpu.core_type<tc>, window_params = [{transform_indices = @transform_0, window_bounds = array<i64: 2, 1000, 64>}, {transform_indices = @transform_1, window_bounds = array<i64: 1000, 128>}, {transform_indices = @transform_2, window_bounds = array<i64: 1000, 128>}, {transform_indices = @transform_3, window_bounds = array<i64: 1000, 1>}, {pipeline_mode = #tpu.pipeline_mode<synchronous>, transform_indices = @transform_4, window_bounds = array<i64: 1, 128>}, {pipeline_mode = #tpu.pipeline_mode<synchronous>, transform_indices = @transform_5, window_bounds = array<i64: 128, 128>}, {pipeline_mode = #tpu.pipeline_mode<synchronous>, transform_indices = @transform_6, window_bounds = array<i64: 1, 128>}, {pipeline_mode = #tpu.pipeline_mode<synchronous>, transform_indices = @transform_7, window_bounds = array<i64: 128, 128>}, {pipeline_mode = #tpu.pipeline_mode<synchronous>, transform_indices = @transform_8, window_bounds = array<i64: 1, 128>}, {transform_indices = @transform_9, window_bounds = array<i64: 1000, 128>}]} {
    %get3A = arith.constant 0 : index
    %get3A_0 = arith.constant 0 : index
    %get3A_1 = vector.load %arg4[%get3A, %get3A_0] : memref<1000x1xf32, #tpu.memory_space<vmem>>, vector<1000x1xf32>
    %get3A_2 = arith.constant 0 : index
    %get3A_3 = arith.constant 0 : index
    %get3A_4 = arith.constant 0 : index
    %get3A_5 = vector.load %arg1[%get3A_2, %get3A_3, %get3A_4] : memref<2x1000x64xf32, #tpu.memory_space<vmem>>, vector<1x1000x64xf32>
    %get3A_6 = vector.shape_cast %get3A_5 : vector<1x1000x64xf32> to vector<1000x64xf32>
    %get3A_7 = arith.constant 1 : index
    %get3A_8 = arith.constant 0 : index
    %get3A_9 = arith.constant 0 : index
    %get3A_10 = vector.load %arg1[%get3A_7, %get3A_8, %get3A_9] : memref<2x1000x64xf32, #tpu.memory_space<vmem>>, vector<1x1000x64xf32>
    %get3A_11 = vector.shape_cast %get3A_10 : vector<1x1000x64xf32> to vector<1000x64xf32>
    %concatenate3A = tpu.concatenate %get3A_6, %get3A_11 in 1 : vector<1000x64xf32>, vector<1000x64xf32> -> vector<1000x128xf32>
    %get3A_12 = arith.constant 0 : index
    %get3A_13 = arith.constant 0 : index
    %get3A_14 = vector.load %arg2[%get3A_12, %get3A_13] : memref<1000x128xf32, #tpu.memory_space<vmem>>, vector<1000x128xf32>
    %add3A = arith.addf %concatenate3A, %get3A_14 : vector<1000x128xf32>
    %mul3A = vector.broadcast %get3A_1 : vector<1000x1xf32> to vector<1000x128xf32>
    %mul3A_15 = arith.mulf %mul3A, %add3A : vector<1000x128xf32>
    %get3A_16 = arith.constant 0 : index
    %get3A_17 = arith.constant 0 : index
    %get3A_18 = vector.load %arg5[%get3A_16, %get3A_17] : memref<1x128xf32, #tpu.memory_space<vmem>>, vector<1x128xf32>
    %add3A_19 = vector.broadcast %get3A_18 : vector<1x128xf32> to vector<1000x128xf32>
    %add3A_20 = arith.addf %mul3A_15, %add3A_19 : vector<1000x128xf32>
    %get3A_21 = arith.constant 0 : index
    %get3A_22 = arith.constant 0 : index
    %get3A_23 = vector.load %arg3[%get3A_21, %get3A_22] : memref<1000x128xf32, #tpu.memory_space<vmem>>, vector<1000x128xf32>
    %add3A_24 = arith.addf %add3A_20, %get3A_23 : vector<1000x128xf32>
    %ge3A = arith.constant 0.000000e+00 : f32
    %ge3A_25 = vector.broadcast %ge3A : f32 to vector<1000x128xf32>
    %ge3A_26 = arith.cmpf oge, %add3A_24, %ge3A_25 : vector<1000x128xf32>
    %mul3A_27 = arith.constant 0.00999999977 : f32
    %mul3A_28 = vector.broadcast %mul3A_27 : f32 to vector<1000x128xf32>
    %mul3A_29 = arith.mulf %mul3A_28, %add3A_24 : vector<1000x128xf32>
    %select_n3A = arith.select %ge3A_26, %add3A_24, %mul3A_29 : vector<1000x128xi1>, vector<1000x128xf32>
    %get3A_30 = arith.constant 0 : index
    %get3A_31 = arith.constant 0 : index
    %get3A_32 = vector.load %arg6[%get3A_30, %get3A_31] : memref<128x128xf32, #tpu.memory_space<vmem>>, vector<128x128xf32>
    %dot_general3A = arith.constant dense<0.000000e+00> : vector<1000x128xf32>
    %dot_general3A_33 = tpu.matmul %select_n3A, %get3A_32, %dot_general3A {dimension_numbers = #tpu.dot_dimension_numbers<[1], [0], [0], [1], [0, 0, 1, 1], [], []>, transpose_lhs_hint = false} : vector<1000x128xf32>, vector<128x128xf32>, vector<1000x128xf32> -> vector<1000x128xf32>
    %get3A_34 = arith.constant 0 : index
    %get3A_35 = arith.constant 0 : index
    %get3A_36 = vector.load %arg7[%get3A_34, %get3A_35] : memref<1x128xf32, #tpu.memory_space<vmem>>, vector<1x128xf32>
    %add3A_37 = vector.broadcast %get3A_36 : vector<1x128xf32> to vector<1000x128xf32>
    %add3A_38 = arith.addf %dot_general3A_33, %add3A_37 : vector<1000x128xf32>
    %ge3A_39 = arith.constant 0.000000e+00 : f32
    %ge3A_40 = vector.broadcast %ge3A_39 : f32 to vector<1000x128xf32>
    %ge3A_41 = arith.cmpf oge, %add3A_38, %ge3A_40 : vector<1000x128xf32>
    %mul3A_42 = arith.constant 0.00999999977 : f32
    %mul3A_43 = vector.broadcast %mul3A_42 : f32 to vector<1000x128xf32>
    %mul3A_44 = arith.mulf %mul3A_43, %add3A_38 : vector<1000x128xf32>
    %select_n3A_45 = arith.select %ge3A_41, %add3A_38, %mul3A_44 : vector<1000x128xi1>, vector<1000x128xf32>
    %get3A_46 = arith.constant 0 : index
    %get3A_47 = arith.constant 0 : index
    %get3A_48 = vector.load %arg8[%get3A_46, %get3A_47] : memref<128x128xf32, #tpu.memory_space<vmem>>, vector<128x128xf32>
    %dot_general3A_49 = arith.constant dense<0.000000e+00> : vector<1000x128xf32>
    %dot_general3A_50 = tpu.matmul %select_n3A_45, %get3A_48, %dot_general3A_49 {dimension_numbers = #tpu.dot_dimension_numbers<[1], [0], [0], [1], [0, 0, 1, 1], [], []>, transpose_lhs_hint = false} : vector<1000x128xf32>, vector<128x128xf32>, vector<1000x128xf32> -> vector<1000x128xf32>
    %get3A_51 = arith.constant 0 : index
    %get3A_52 = arith.constant 0 : index
    %get3A_53 = vector.load %arg9[%get3A_51, %get3A_52] : memref<1x128xf32, #tpu.memory_space<vmem>>, vector<1x128xf32>
    %add3A_54 = vector.broadcast %get3A_53 : vector<1x128xf32> to vector<1000x128xf32>
    %add3A_55 = arith.addf %dot_general3A_50, %add3A_54 : vector<1000x128xf32>
    %add3A_56 = arith.addf %add3A_55, %select_n3A : vector<1000x128xf32>
    %ge3A_57 = arith.constant 0.000000e+00 : f32
    %ge3A_58 = vector.broadcast %ge3A_57 : f32 to vector<1000x128xf32>
    %ge3A_59 = arith.cmpf oge, %add3A_56, %ge3A_58 : vector<1000x128xf32>
    %mul3A_60 = arith.constant 0.00999999977 : f32
    %mul3A_61 = vector.broadcast %mul3A_60 : f32 to vector<1000x128xf32>
    %mul3A_62 = arith.mulf %mul3A_61, %add3A_56 : vector<1000x128xf32>
    %select_n3A_63 = arith.select %ge3A_59, %add3A_56, %mul3A_62 : vector<1000x128xi1>, vector<1000x128xf32>
    %swap3A = arith.constant 0 : index
    %swap3A_64 = arith.constant 0 : index
    %swap3A_65 = vector.load %arg10[%swap3A, %swap3A_64] : memref<1000x128xf32, #tpu.memory_space<vmem>>, vector<1000x128xf32>
    tpu.vector_store %arg10[%swap3A, %swap3A_64], %select_n3A_63 {strides = array<i32>} : memref<1000x128xf32, #tpu.memory_space<vmem>>, vector<1000x128xf32>,
    return
  }
  func.func @transform_0(%arg0: i32) -> (i32, i32, i32) {
    %c0_i32 = arith.constant 0 : i32
    %c0_i32_0 = arith.constant 0 : i32
    %c0_i32_1 = arith.constant 0 : i32
    return %c0_i32, %arg0, %c0_i32_0 : i32, i32, i32
  }
  func.func @transform_1(%arg0: i32) -> (i32, i32) {
    %c0_i32 = arith.constant 0 : i32
    %c0_i32_0 = arith.constant 0 : i32
    return %arg0, %c0_i32 : i32, i32
  }
  func.func @transform_2(%arg0: i32) -> (i32, i32) {
    %c0_i32 = arith.constant 0 : i32
    %c0_i32_0 = arith.constant 0 : i32
    return %arg0, %c0_i32 : i32, i32
  }
  func.func @transform_3(%arg0: i32) -> (i32, i32) {
    %c0_i32 = arith.constant 0 : i32
    %c0_i32_0 = arith.constant 0 : i32
    return %arg0, %c0_i32 : i32, i32
  }
  func.func @transform_4(%arg0: i32) -> (i32, i32) {
    %c0_i32 = arith.constant 0 : i32
    %c0_i32_0 = arith.constant 0 : i32
    %c0_i32_1 = arith.constant 0 : i32
    return %c0_i32, %c0_i32_0 : i32, i32
  }
  func.func @transform_5(%arg0: i32) -> (i32, i32) {
    %c0_i32 = arith.constant 0 : i32
    %c0_i32_0 = arith.constant 0 : i32
    %c0_i32_1 = arith.constant 0 : i32
    return %c0_i32, %c0_i32_0 : i32, i32
  }
  func.func @transform_6(%arg0: i32) -> (i32, i32) {
    %c0_i32 = arith.constant 0 : i32
    %c0_i32_0 = arith.constant 0 : i32
    %c0_i32_1 = arith.constant 0 : i32
    return %c0_i32, %c0_i32_0 : i32, i32
  }
  func.func @transform_7(%arg0: i32) -> (i32, i32) {
    %c0_i32 = arith.constant 0 : i32
    %c0_i32_0 = arith.constant 0 : i32
    %c0_i32_1 = arith.constant 0 : i32
    return %c0_i32, %c0_i32_0 : i32, i32
  }
  func.func @transform_8(%arg0: i32) -> (i32, i32) {
    %c0_i32 = arith.constant 0 : i32
    %c0_i32_0 = arith.constant 0 : i32
    %c0_i32_1 = arith.constant 0 : i32
    return %c0_i32, %c0_i32_0 : i32, i32
  }
  func.func @transform_9(%arg0: i32) -> (i32, i32) {
    %c0_i32 = arith.constant 0 : i32
    %c0_i32_0 = arith.constant 0 : i32
    return %arg0, %c0_i32 : i32, i32
  }
}

</mosaic_0001>

<sc_bundles>
// kernel: kernel.11.cloned.1.call-start
scs
__scs_entry_jumppad:
0x0: {  	(pc) =	sbr.rel $0x88, $3  }
0x1: {  	(tag) =	ssettag $0x0;
	lr =	simm.s32 $0x1  }
0x2: {  	[smem:$0x3F97] =	sst lr;
	_ =	strace $0xD0000000  }
0x3: {  	_ = 	snop  }
0x4: {  	_ = 	snop  }
0x5: {  	_ = 	snop  }
0x6: {  	_ = 	snop  }
0x7: {  	_ = 	snop  }
__scs_overlays_trampoline_lowered:
0x8: {  	[smem:$0x3FA6] =	sst s0  }
0x9: {  	[smem:$0x3FA7] =	sst s1  }
0xa: {  	[smem:$0x3FA8] =	sst s2  }
0xb: {  	[smem:$0x3FA9] =	sst s3  }
0xc: {  	[smem:$0x3FAA] =	sst s4  }
0xd: {  	[smem:$0x3FAB] =	sst s5  }
0xe: {  	[smem:$0x3FAC] =	sst s6  }
0xf: {  	[smem:$0x3FAD] =	sst s7  }
0x10: {  	[smem:$0x3FAE] =	sst s8  }
0x11: {  	[smem:$0x3FAF] =	sst s9;
	s0 =	simm.s32 @!p0 $0x0  }
0x12: {  	s1 =	sld [smem:$0x3F95];
	s0 =	simm.s32 @p0 $0x1  }
0x13: {  	[smem:$0x3FB0] =	sst s0;
	s0 =	simm.s32 @!p1 $0x0  }
0x14: {  	s2 =	sld [smem:$0x3F94];
	s0 =	simm.s32 @p1 $0x1  }
0x15: {  	[smem:$0x3FB1] =	sst s0;
	s0 =	simm.s32 @!p2 $0x0  }
0x16: {  	s3 =	sld [smem:$0x3FDB];
	s0 =	simm.s32 @p2 $0x1  }
0x17: {  	s4 =	simm.s32 $0x1BF5;
	[smem:$0x3FB3] =	sst s0  }
0x18: {  	s0 =	sld [smem:$0x3F96];
	_ =	swait.ge [sflag:s4], $0x0  }
0x19: {  	s7 =	sld [smem:$0x3F97]  }
0x1a: {  	s8 =	sadd.s32 $0xFFFFE003, lr  }
0x1b: {  	s9 =	sadd.s32 $0xFFFFFEF7, lr;
	s5 =	simm.s32 $0xFFFFFFFF;
	p2 =	slt.u32 s8, $0xFFFFF086  }
0x1c: {  	p1 =	slt.u32 s9, $0xF7A;
	s5 =	simm.s32 @!p2 $0x0  }
0x1d: {  	s5 =	simm.s32 @p1 $0x1;
	p0 =	seq.s32 s7, s2  }
0x1e: {  	s7 =	smul.u32 @!p0 $0xF7A, s2;
	p2 =	seq.s32 @!p0 s5, $0x0  }
0x1f: {  	s9 =	smul.u32 $0xF7A, s1;
	s8 =	simm.s32 @!p0 $0x1BF5;
	p2 =	por !p2, p0  }
0x20: {  	[sflag:s8] =	ssyncset.s32 @!p0 $0xFFFFF086;
	s6 =	sadd.s32 @!p0 s3, s7;
	s7 =	simm.s32 @!p0 $0x108  }
0x21: {  	s3 =	sadd.s32 s3, s9;
	s6 =	sadd.s32 @!p0 $0x88, s6;
	s7 =	simm.s32 @p2 $0x1082  }
0x22: {  	[simem:s7], [sflag:s8] =	dma.local @!p0 [hbm:s6], $0xF7A  }
0x23: {  	s9 =	sor.u32 $0xD0000000, s2;
	s6 =	simm.s32 $0x108;
	_ =	swait.ge @!p0 [sflag:s8], $0x0  }
0x24: {  	s3 =	sadd.s32 $0x88, s3;
	s6 =	simm.s32 @!p1 $0x1082;
	[sflag:s4] =	ssyncset.s32 $0xFFFFF086  }
0x25: {  	[simem:s6], [sflag:s4] =	dma.local [hbm:s3], $0xF7A  }
0x26: {  	[smem:$0x3F97] =	sst s1;
	(tag) =	ssettag s2;
	_ =	strace s9  }
0x27: {  	s1 =	sld [smem:$0x3FA7]  }
0x28: {  	s2 =	sld [smem:$0x3FA8]  }
0x29: {  	s4 =	sld [smem:$0x3FAA]  }
0x2a: {  	p0 =	seq.s32 s5, $0x0;
	s5 =	sld [smem:$0x3FAB]  }
0x2b: {  	s6 =	sld [smem:$0x3FAC]  }
0x2c: {  	s7 =	sld [smem:$0x3FAD]  }
0x2d: {  	s3 =	simm.s32 $0x108;
	s8 =	sld [smem:$0x3FAE]  }
0x2e: {  	s3 =	simm.s32 @!p0 $0x1082;
	s9 =	sld [smem:$0x3FAF]  }
0x2f: {  	lr =	sadd.s32 s0, s3;
	s0 =	sld [smem:$0x3FA6]  }
0x30: {  	s3 =	sld [smem:$0x3FA9]  }
0x31: {  	[smem:$0x3FB2] =	sst s10  }
0x32: {  	s10 =	sld [smem:$0x3FB0];
	_ =	sdelay $0x3  }
0x33: {  	p0 =	seq.s32 s10, $0x1;
	s10 =	sld [smem:$0x3FB2];
	_ =	sdelay $0x3  }
0x34: {  	[smem:$0x3FB2] =	sst s10  }
0x35: {  	s10 =	sld [smem:$0x3FB1];
	_ =	sdelay $0x3  }
0x36: {  	p1 =	seq.s32 s10, $0x1;
	s10 =	sld [smem:$0x3FB2];
	_ =	sdelay $0x3  }
0x37: {  	[smem:$0x3FB2] =	sst s10  }
0x38: {  	s10 =	sld [smem:$0x3FB3]  }
0x39: {  	_ = 	snop;
	(pc) =	sbr.ind lr, $3  }
0x3a: {  	_ = 	snop  }
0x3b: {  	_ = 	snop  }
0x3c: {  	p2 =	seq.s32 s10, $0x1;
	s10 =	sld [smem:$0x3FB2]  }
0x3d: {  	_ =	shalt  }
0x3e: {  	_ =	shalt  }
0x3f: {  	_ =	shalt  }
0x40: {  	_ =	shalt  }
0x41: {  	_ =	shalt  }
0x42: {  	_ =	shalt  }
0x43: {  	_ =	shalt  }
0x44: {  	_ =	shalt  }
0x45: {  	_ =	shalt  }
0x46: {  	_ =	shalt  }
0x47: {  	_ =	shalt  }
0x48: {  	_ =	shalt  }
0x49: {  	_ =	shalt  }
0x4a: {  	_ =	shalt  }
0x4b: {  	_ =	shalt  }
0x4c: {  	_ =	shalt  }
0x4d: {  	_ =	shalt  }
0x4e: {  	_ =	shalt  }
0x4f: {  	_ =	shalt  }
0x50: {  	_ =	shalt  }
0x51: {  	_ =	shalt  }
0x52: {  	_ =	shalt  }
0x53: {  	_ =	shalt  }
0x54: {  	_ =	shalt  }
0x55: {  	_ =	shalt  }
0x56: {  	_ =	shalt  }
0x57: {  	_ =	shalt  }
0x58: {  	_ =	shalt  }
0x59: {  	_ =	shalt  }
0x5a: {  	_ =	shalt  }
0x5b: {  	_ =	shalt  }
0x5c: {  	_ =	shalt  }
0x5d: {  	_ =	shalt  }
0x5e: {  	_ =	shalt  }
0x5f: {  	_ =	shalt  }
0x60: {  	_ =	shalt  }
0x61: {  	_ =	shalt  }
0x62: {  	_ =	shalt  }
0x63: {  	_ =	shalt  }
0x64: {  	_ =	shalt  }
0x65: {  	_ =	shalt  }
0x66: {  	_ =	shalt  }
0x67: {  	_ =	shalt  }
0x68: {  	_ =	shalt  }
0x69: {  	_ =	shalt  }
0x6a: {  	_ =	shalt  }
0x6b: {  	_ =	shalt  }
0x6c: {  	_ =	shalt  }
0x6d: {  	_ =	shalt  }
0x6e: {  	_ =	shalt  }
0x6f: {  	_ =	shalt  }
0x70: {  	_ =	shalt  }
0x71: {  	_ =	shalt  }
0x72: {  	_ =	shalt  }
0x73: {  	_ =	shalt  }
0x74: {  	_ =	shalt  }
0x75: {  	_ =	shalt  }
0x76: {  	_ =	shalt  }
0x77: {  	_ =	shalt  }
0x78: {  	_ =	shalt  }
0x79: {  	_ =	shalt  }
0x7a: {  	_ =	shalt  }
0x7b: {  	_ =	shalt  }
0x7c: {  	_ =	shalt  }
0x7d: {  	_ =	shalt  }
0x7e: {  	_ =	shalt  }
0x7f: {  	_ =	shalt  }
0x80: {  	_ =	shalt  }
0x81: {  	_ =	shalt  }
0x82: {  	_ =	shalt  }
0x83: {  	_ =	shalt  }
0x84: {  	_ =	shalt  }
0x85: {  	_ =	shalt  }
0x86: {  	_ =	shalt  }
0x87: {  	_ =	shalt  }
.Lfunc_end0:
.L_simem_size_0:
called_computation.1_lowered:
.L_overlay_start_0:
0x88: {  	s2 =	sld [smem:$0x3FD9]  }
0x89: {  	s3 =	sld [smem:$0x3FFE];
	_ =	sdelay $0x1  }
0x8a: {  	s1 =	srdreg.scid  }
0x8b: {  	s0 =	sand.u32 $0x1, s1  }
0x8c: {  	s17 =	sshll.u32 s0, $0xA;
	s2 =	sadd.s32 s3, s2  }
0x8d: {  	s2 =	sadd.s32 s2, s17  }
0x8e: {  	[smem:$0x3FBE] =	sst s2  }
0x8f: {  	_ = 	snop  }
0x90: {  	s2 =	sld [smem:$0x3FD0];
	(tm) =	ssettm $0x1  }
0x91: {  	s18 =	sld [smem:$0x3FFB];
	_ =	sdelay $0x3  }
0x92: {  	_ =	strace s18  }
0x93: {  	s3 =	sld [smem:$0x3FFC];
	_ =	sdelay $0x3  }
0x94: {  	_ =	strace s3  }
0x95: {  	s3 =	sld [smem:$0x3FFD];
	_ =	sdelay $0x3  }
0x96: {  	_ =	strace s3  }
0x97: {  	_ =	strace $0x8FFFFFFF  }
0x98: {  	s19 =	sld [smem:$0x3FDB];
	_ =	sdelay $0x1  }
0x99: {  	s4 =	simm.s32 $_scs_section_size  }
0x9a: {  	s5 =	simm.s32 $_size__tile_overlayer_lowered;
	s6 =	simm.s32 $_tile_overlayer_lowered  }
0x9b: {  	s22 =	simm.s32 $0x1BFF;
	s21 =	sshll.u32 s6, $0x1;
	s3 =	sadd.s32 s4, s19  }
0x9c: {  	s7 =	simm.s32 $0x0;
	s20 =	sshll.u32 s5, $0x1;
	s5 =	sadd.s32 s21, s3  }
0x9d: {  	[timem:s7], [sflag:s22] =	dma.local [hbm:s5], s20  }
0x9e: {  	_ =	swait.ge [sflag:s22], s20  }
0x9f: {  	s4 =	ssub.s32 $0x0, s20;
	[sflag:s22] =	ssyncset.done $0x0  }
0xa0: {  	[sflag:s22] =	ssyncadd.s32 s4;
	_ =	sdelay $0x1  }
0xa1: {  	s23 =	simm.s32 $0x1B8B  }
0xa2: {  	_ =	swait.ge [sflag:s23], $0x1  }
0xa3: {  	[sflag:s23] =	ssyncset.done $0x0  }
0xa4: {  	s25 =	simm.s32 $0x1B8E;
	s24 =	sld [smem:$0x3FFE];
	[sflag:s23] =	ssyncadd.s32 $0xFFFFFFFF  }
0xa5: {  	s26 =	simm.s32 $execute0_lowered;
	[smem:$0x3FD2] =	sst s25  }
0xa6: {  	s5 =	sshll.u32 s26, $0x1;
	_ =	strace $0x80000049;
	[dreg:$0x1] =	wrdreg $0xFFFFFFFF  }
0xa7: {  	s28 =	simm.s32 $_size_execute0_lowered;
	s3 =	sadd.s32 s3, s5;
	[dreg:$0x0] =	wrdreg $0x0  }
0xa8: {  	s5 =	sshll.u32 s28, $0x1;
	[dreg:$0x2] =	wrdreg s3  }
0xa9: {  	[dreg:$0x3] =	wrdreg s5  }
0xaa: {  	[dreg:$0x4] =	wrdreg $0xC0  }
0xab: {  	_ =	task [dreg:s7], $0x5FFFF  }
0xac: {  	[dreg:$0x1] =	wrdreg $0xFFFFFFFF  }
0xad: {  	[dreg:$0x0] =	wrdreg $0x60  }
0xae: {  	[dreg:$0x2] =	wrdreg s2  }
0xaf: {  	[dreg:$0x3] =	wrdreg s24  }
0xb0: {  	[dreg:$0x4] =	wrdreg $0x15D000  }
0xb1: {  	[dreg:$0x5] =	wrdreg $0x9  }
0xb2: {  	_ =	task.clear_ibuf [dreg:s7], $0x6FFFF;
	_ =	strace $0x90000049  }
0xb3: {  	s29 =	simm.s32 $0x9;
	_ =	strace $0x8000004B  }
0xb4: {  	_ =	swait.ge [sflag:s29], $0x1  }
0xb5: {  	[sflag:s29] =	ssyncadd.s32 $0xFFFFFFFF  }
0xb6: {  	_ =	strace $0x9000004B  }
0xb7: {  	_ =	sfence  }
0xb8: {  	s30 =	sld [smem:$0x0];
	_ =	sdelay $0x2  }
0xb9: {  	s31 =	sshll.u32 s1, $0xD;
	s1 =	sshrl.u32 s1, $0x2  }
0xba: {  	s3 =	sand.u32 $0x4000, s31;
	s1 =	sadd.s32 s1, s30  }
0xbb: {  	s0 =	sor.u32 s3, s0;
	s1 =	sshll.u32 s1, $0x11  }
0xbc: {  	s0 =	sor.u32 s1, s0  }
0xbd: {  	s0 =	sadd.s32 $0x8F2B, s0  }
0xbe: {  	[sflag:s0] =	ssyncadd.remote.s32 $0x1  }
0xbf: {  	_ =	sfence.sel $0xFFFF  }
0xc0: {  	[dreg:$0x0] =	wrdreg $0xFFFFFFFF;
	(pc) =	sbr.abs _section_cstart, $3  }
0xc1: {  	[dreg:$0x1] =	wrdreg $0xFFFFFFFF  }
0xc2: {  	_ =	task.clear_ibuf [dreg:s7], $0x2FFFF;
	_ =	strace $0x9FFFFFFF  }
0xc3: {  	(tm) =	ssettm $0x7FFFFFFF  }
tec
execute0_lowered:
.L_overlay_start_1:
0x0: {  	(tag) =	ssettag $0x1  }
0x1: {  	s1 =	rddreg [dreg:$0x0];
	s2 =	srdreg.scid  }
0x2: {  	s0 =	stileid.u32;
	s6 =	rddreg [dreg:$0x1]  }
0x3: {  	s3 =	rddreg [dreg:$0x2];
	s4 =	simm.s32 $0x0;
	s16 =	simm.s32 $0x100  }
0x4: {  	s17 =	simm.s32 $0xDD00;
	s18 =	simm.s32 $0x180;
	s19 =	simm.s32 $0xFD00  }
0x5: {  	s20 =	simm.s32 $0x200;
	s21 =	simm.s32 $0x11D00;
	s7 =	smul.u32 $0x4E80, s0  }
0x6: {  	s22 =	simm.s32 $0x7;
	s5 =	sand.u32 $0x1, s2;
	s9 =	smul.u32 $0x9E00, s0  }
0x7: {  	s23 =	simm.s32 $0x0;
	[smem:$0x7FF] =	sst s4;
	s8 =	smul.u32 $0x4E800, s5  }
0x8: {  	s31 =	sshll.u32 s0, $0x6;
	s10 =	smul.u32 $0x9E000, s5;
	s29 =	ssub.s32 $0x2, s5  }
0x9: {  	_ =	strace $0x8000004A;
	s5 =	sadd.s32 $0x21800, s6;
	s30 =	sshrl.u32 s29, $0x1  }
0xa: {  	s13 =	sadd.s32 s9, s3;
	s8 =	sadd.s32 s7, s8;
	s7 =	sshrl.u32 s7, $0x3  }
0xb: {  	s10 =	sadd.s32 s9, s10;
	s8 =	sshrl.u32 s8, $0x3;
	s11 =	sadd.s32 s7, s6  }
0xc: {  	s28 =	sshrl.u32 s10, $0x3;
	s10 =	ssub.s32 s29, s30;
	s8 =	sadd.s32 s8, s6  }
0xd: {  	s12 =	sadd.s32 s28, s6;
	s6 =	sor.u32 $0x1C0D, s31;
	s10 =	smax.u32 s10, $0x1  }
0xe: {  	s7 =	sadd.s32 $0x4000, s8;
	s8 =	sadd.s32 $0x17A00, s11;
	s9 =	sadd.s32 $0x22C00, s12  }
0xf: {  	s11 =	sshrl.u32 s13, $0x3;
	s12 =	simm.s32 $0xD;
	s13 =	simm.s32 $0x80  }
.LBB2_1:
0x10: {  	[spmem:s11], [sflag:s6] =	dma.local [hbm:s5], $0x13C0  }
0x11: {  	_ =	swait.ge [sflag:s12], $0x13C0  }
0x12: {  	[sflag:s12] =	ssyncset.done $0x0  }
0x13: {  	[sflag:s12] =	ssyncadd.s32 $0xFFFFEC40  }
0x14: {  	[tilespmem:s4], [sflag:$0xD] =	stream.linear.gather [hbm4b:s7+s4], $0x4E80, $0x38;
	[tilespmem:$0x1FB00] =	vst v63  }
0x15: {  	_ =	swait.ge [sflag:s12], $0x4E80  }
0x16: {  	p1 =	por $0x1, $0x1;
	[sflag:s12] =	ssyncset.done $0x0  }
0x17: {  	s24 =	simm.s32 $0x4E80;
	s25 =	simm.s32 @!p1 $0xFFFFFFFF;
	[sflag:s12] =	ssyncadd.s32 $0xFFFFB180  }
0x18: {  	[tilespmem:s24], [sflag:$0xD] =	stream.linear.gather [hbm4b:s8+s4], $0x4E80, $0x38;
	[tilespmem:$0x1FB00] =	vst v63  }
0x19: {  	s25 =	sand.u32 @!p1 $0xFF, s25;
	_ =	swait.ge [sflag:s12], $0x4E80  }
0x1a: {  	s0 =	simm.s32 $0x9D00;
	s25 =	smul.u32 @!p1 $0xAB, s25;
	[sflag:s12] =	ssyncset.done $0x0  }
0x1b: {  	s14 =	simm.s32 $0xBD00;
	p0 =	por $0x0, $0x0;
	[sflag:s12] =	ssyncadd.s32 $0xFFFFB180  }
0x1c: {  	s26 =	smul.u32 @!p1 $0xAB, s4;
	s25 =	sshrl.u32 @!p1 s25, $0xA;
	[bflag:$0x0] =	sbarrier.arrive $0xFFFF  }
0x1d: {  	[tilespmem:s0], [sflag:$0x1] =	stream.indirect.gather [hbm4b:s1+s13], $0x40, s4, s13, $0xb8;
	[tilespmem:$0x1FB00] =	vst v63  }
0x1e: {  	s28 =	simm.s32 @!p0 $0x5;
	s26 =	sshrl.u32 @!p1 s26, $0xA;
	s25 =	smul.u32 @!p1 $0x6, s25  }
0x1f: {  	[tilespmem:s14], [sflag:$0x2] =	stream.indirect.gather [hbm4b:s1+s13], $0x40, s13, s13, $0xb8;
	[tilespmem:$0x1FB00] =	vst v63  }
0x20: {  	s28 =	smul.u32 @!p0 $0xAB, s28;
	s26 =	sand.u32 @!p1 $0x3F, s26;
	s25 =	ssub.s32 @!p1 $0xFFFFFFFF, s25  }
0x21: {  	[tilespmem:s17], [sflag:$0x3] =	stream.indirect.gather [hbm4b:s1+s13], $0x40, s16, s13, $0xb8;
	[tilespmem:$0x1FB00] =	vst v63  }
0x22: {  	s26 =	smul.u32 @!p1 $0x6, s26;
	s25 =	sand.u32 @!p1 $0xFF, s25  }
0x23: {  	[tilespmem:s19], [sflag:$0x4] =	stream.indirect.gather [hbm4b:s1+s13], $0x40, s18, s13, $0xb8;
	[tilespmem:$0x1FB00] =	vst v63  }
0x24: {  	s29 =	sshrl.u32 @!p0 s28, $0xA;
	s26 =	ssub.s32 @!p1 $0x0, s26;
	s25 =	sadd.s32 @!p1 $0x7, s25  }
0x25: {  	[tilespmem:s21], [sflag:$0x5] =	stream.indirect.gather [hbm4b:s1+s13], $0x40, s20, s13, $0xb8;
	[tilespmem:$0x1FB00] =	vst v63  }
0x26: {  	s28 =	simm.s32 $0x280;
	s26 =	sand.u32 @!p1 $0xFF, s26;
	_ =	swait.ge @!p1 [sflag:s25], $0x2000  }
0x27: {  	s29 =	sand.u32 @!p0 $0x3F, s29;
	s26 =	simm.s32 @p1 $0x0;
	[sflag:s25] =	ssyncset.done @!p1 $0x0  }
0x28: {  	s31 =	smul.u32 @!p0 $0x6, s29;
	s15 =	sadd.s32 $0x1, s26;
	[sflag:s25] =	ssyncadd.s32 @!p1 $0xFFFFE000  }
0x29: {  	s30 =	sshll.u32 s26, $0xD;
	s26 =	sadd.s32 $0x7, s26;
	_ =	swait.ge [sflag:s15], $0x2000  }
0x2a: {  	s29 =	sadd.s32 $0x9D00, s30;
	s30 =	ssub.s32 @!p0 $0x5, s31;
	[sflag:s15] =	ssyncset.done $0x0  }
0x2b: {  	s25 =	simm.s32 $0x4F00;
	p1 =	por $0x0, $0x0;
	[sflag:s15] =	ssyncadd.s32 $0xFFFFE000  }
0x2c: {  	[spmem:s3] =	stream.indirect.scatter.add.f32 [tilespmem:s29], [sflag:s26], $0x40, s24, s13, $0xb8;
	[tilespmem:$0x1FB00] =	vst v63  }
0x2d: {  	s26 =	simm.s32 $0x1;
	s29 =	simm.s32 $0x2;
	s24 =	simm.s32 $0x300  }
.LBB2_2:
0x2e: {  	s31 =	sadd.s32 @!p1 $0xFFFFFFFF, s26;
	s30 =	sand.u32 @!p0 $0xFF, s30;
	s2 =	simm.s32 @!p0 $0x80  }
0x2f: {  	s14 =	smul.u32 @!p1 $0xAB, s26;
	s0 =	sand.u32 @!p1 $0xFF, s31;
	s15 =	sshll.u32 @!p0 s30, $0xD  }
0x30: {  	s30 =	sadd.s32 @!p0 $0x1, s30;
	s0 =	smul.u32 @!p1 $0xAB, s0;
	s15 =	sadd.s32 @!p0 $0x9D00, s15  }
0x31: {  	[tilespmem:s15], [sflag:s30] =	stream.indirect.gather @!p0 [hbm4b:s1+s2], $0x40, s28, s2, $0xb8;
	[tilespmem:$0x1FB00] =	vst v63  }
0x32: {  	s2 =	smov.u32 s29;
	s29 =	sadd.s32 $0x1, s29;
	s0 =	sshrl.u32 @!p1 s0, $0xA  }
0x33: {  	s14 =	sshrl.u32 @!p1 s14, $0xA;
	p2 =	sne.s32 s29, $0x9D;
	s0 =	smul.u32 @!p1 $0x6, s0  }
0x34: {  	s14 =	sand.u32 @!p1 $0x3F, s14;
	s15 =	smov.u32 s25;
	s28 =	smov.u32 s24  }
0x35: {  	s14 =	smul.u32 @!p1 $0x6, s14;
	s0 =	ssub.s32 @!p1 s31, s0  }
0x36: {  	p0 =	sgt.u32 s26, $0x97;
	s25 =	sadd.s32 $0x80, s25;
	s0 =	sand.u32 @!p1 $0xFF, s0  }
0x37: {  	s30 =	sadd.s32 @!p0 $0x5, s26;
	s14 =	ssub.s32 @!p1 s26, s14;
	s0 =	sadd.s32 @!p1 $0x7, s0  }
0x38: {  	s14 =	sand.u32 @!p1 $0xFF, s14;
	s31 =	smul.u32 @!p0 $0xAB, s30;
	_ =	swait.ge @!p1 [sflag:s0], $0x2000  }
0x39: {  	s26 =	smov.u32 s2;
	s14 =	simm.s32 @p1 $0x0;
	[sflag:s0] =	ssyncset.done @!p1 $0x0  }
0x3a: {  	s2 =	sshrl.u32 @!p0 s31, $0xA;
	[sflag:s0] =	ssyncadd.s32 @!p1 $0xFFFFE000;
	s0 =	sadd.s32 $0x1, s14  }
.Ltmp0:
0x3b: {  	s2 =	sand.u32 @!p0 $0x3F, s2;
	_ =	swait.ge [sflag:s0], $0x2000;
	(pc) =	sbr.rel @p2 .LBB2_2-.Ltmp0, $4  }
0x3c: {  	s31 =	sshll.u32 s14, $0xD;
	s2 =	smul.u32 @!p0 $0x6, s2;
	[sflag:s0] =	ssyncset.done $0x0  }
0x3d: {  	s31 =	sadd.s32 $0x9D00, s31;
	[sflag:s0] =	ssyncadd.s32 $0xFFFFE000;
	s0 =	sadd.s32 $0x7, s14  }
0x3e: {  	[spmem:s3] =	stream.indirect.scatter.add.f32 [tilespmem:s31], [sflag:s0], $0x40, s15, s13, $0xb8;
	[tilespmem:$0x1FB00] =	vst v63  }
0x3f: {  	s24 =	sadd.s32 $0x80, s24;
	p1 =	seq.s32 s26, $0x0;
	s30 =	ssub.s32 @!p0 s30, s2  }
0x40: {  	s0 =	sadd.s32 @!p1 $0xFFFFFFFF, s26;
	s2 =	sand.u32 @!p0 $0xFF, s30;
	s14 =	simm.s32 @!p0 $0x80  }
0x41: {  	s29 =	smul.u32 @!p1 $0xAB, s26;
	s15 =	sand.u32 @!p1 $0xFF, s0;
	s30 =	sshll.u32 @!p0 s2, $0xD  }
0x42: {  	s2 =	sadd.s32 @!p0 $0x1, s2;
	s15 =	smul.u32 @!p1 $0xAB, s15;
	s30 =	sadd.s32 @!p0 $0x9D00, s30  }
0x43: {  	[tilespmem:s30], [sflag:s2] =	stream.indirect.gather @!p0 [hbm4b:s1+s14], $0x40, s28, s14, $0xb8;
	[tilespmem:$0x1FB00] =	vst v63  }
0x44: {  	s2 =	sshrl.u32 @!p1 s15, $0xA  }
0x45: {  	s14 =	sshrl.u32 @!p1 s29, $0xA;
	s2 =	smul.u32 @!p1 $0x6, s2  }
0x46: {  	p0 =	sgt.u32 s26, $0x97;
	s14 =	sand.u32 @!p1 $0x3F, s14  }
0x47: {  	s0 =	ssub.s32 @!p1 s0, s2;
	s2 =	smul.u32 @!p1 $0x6, s14;
	s14 =	sadd.s32 @!p0 $0x5, s26  }
0x48: {  	s0 =	sand.u32 @!p1 $0xFF, s0;
	s15 =	smul.u32 @!p0 $0xAB, s14  }
0x49: {  	s0 =	sadd.s32 @!p1 $0x7, s0;
	s2 =	ssub.s32 @!p1 s26, s2  }
0x4a: {  	_ =	swait.ge @!p1 [sflag:s0], $0x2000;
	s2 =	sand.u32 @!p1 $0xFF, s2;
	s15 =	sshrl.u32 @!p0 s15, $0xA  }
0x4b: {  	[sflag:s0] =	ssyncset.done @!p1 $0x0;
	s2 =	simm.s32 @p1 $0x0;
	s15 =	sand.u32 @!p0 $0x3F, s15  }
0x4c: {  	[sflag:s0] =	ssyncadd.s32 @!p1 $0xFFFFE000;
	s29 =	sadd.s32 $0x1, s2;
	s15 =	smul.u32 @!p0 $0x6, s15  }
0x4d: {  	s30 =	sshll.u32 s2, $0xD;
	_ =	swait.ge [sflag:s29], $0x2000  }
0x4e: {  	s31 =	sadd.s32 $0x7, s2;
	[sflag:s29] =	ssyncset.done $0x0;
	s0 =	ssub.s32 @!p0 s14, s15  }
0x4f: {  	s26 =	sadd.s32 $0x9D00, s30;
	[sflag:s29] =	ssyncadd.s32 $0xFFFFE000;
	s0 =	sand.u32 @!p0 $0xFF, s0  }
0x50: {  	[spmem:s3] =	stream.indirect.scatter.add.f32 [tilespmem:s26], [sflag:s31], $0x40, s25, s13, $0xb8;
	[tilespmem:$0x1FB00] =	vst v63  }
0x51: {  	s2 =	sshll.u32 @!p0 s0, $0xD  }
0x52: {  	s14 =	simm.s32 @!p0 $0x80;
	s0 =	sadd.s32 @!p0 $0x1, s0;
	s2 =	sadd.s32 @!p0 $0x9D00, s2  }
0x53: {  	[tilespmem:s2], [sflag:s0] =	stream.indirect.gather @!p0 [hbm4b:s1+s14], $0x40, s24, s14, $0xb8;
	[tilespmem:$0x1FB00] =	vst v63  }
0x54: {  	_ =	swait.ge [sflag:s22], $0x2000  }
0x55: {  	s23 =	sadd.s32 $0x1, s23;
	[sflag:s22] =	ssyncset.done $0x0  }
0x56: {  	p0 =	sne.s32 s23, s10;
	[sflag:s22] =	ssyncadd.s32 $0xFFFFE000  }
.Ltmp1:
0x57: {  	[bflag:$0x0] =	sbarrier.arrive $0xFFFF;
	(pc) =	sbr.rel @p0 .LBB2_1-.Ltmp1, $4  }
0x58: {  	[hbm:s9], [sflag:s6] =	dma.local [spmem:s11], $0x13C0  }
0x59: {  	_ =	swait.ge [sflag:s12], $0x13C0  }
0x5a: {  	[sflag:s12] =	ssyncset.done $0x0  }
0x5b: {  	[sflag:s12] =	ssyncadd.s32 $0xFFFFEC40  }
0x5c: {  	_ =	sfence.sel $0x180000  }
0x5d: {  	[bflag:$0x0] =	sbarrier.arrive $0xFFFF  }
0x5e: {  	_ =	strace $0x9000004A  }
0x5f: {  	s0 =	stileid.u32;
	[bflag:$0x2] =	sbarrier.arrive $0xFFFF  }
0x60: {  	p0 =	sne.s32 s0, $0x0;
	s0 =	rddreg [dreg:$0x3]  }
0x61: {  	s0 =	sadd.s32 @!p0 $0x100000, s0  }
0x62: {  	[sflag:s0] =	ssyncadd.tile.s32 @!p0 $0x1;
	_ =	shalt  }
.Lfunc_end2:
_tile_overlayer_lowered:
.L_overlay_start_2:
0x63: {  	(tag) =	ssettag $0x2  }
0x64: {  	s0 =	rddreg [dreg:$0x0];
	s2 =	stileid.u32  }
0x65: {  	s1 =	rddreg [dreg:$0x1];
	p0 =	sne.s32 s2, $0x0  }
0x66: {  	s3 =	rddreg [dreg:$0x2];
	[bflag:$0x3] =	sbarrier.arrive $0xFFFF;
	s2 =	simm.s32 @!p0 $0x1C0D  }
0x67: {  	[timem:s3], [sflag:s2] =	dma.local @!p0 [hbm:s0], s1  }
0x68: {  	s0 =	simm.s32 @!p0 $0xD  }
0x69: {  	_ =	swait.ge @!p0 [sflag:s0], s1  }
0x6a: {  	s1 =	ssub.s32 @!p0 $0x0, s1;
	[sflag:s0] =	ssyncset.done @!p0 $0x0  }
0x6b: {  	[sflag:s0] =	ssyncadd.s32 @!p0 s1  }
0x6c: {  	[bflag:$0x3] =	sbarrier.arrive $0xFFFF  }
0x6d: {  	_ =	shalt  }

// kernel: kernel.14.cloned.1.call-start
scs
__scs_entry_jumppad:
0x0: {  	(pc) =	sbr.rel $0x88, $3  }
0x1: {  	(tag) =	ssettag $0x0;
	lr =	simm.s32 $0x1  }
0x2: {  	[smem:$0x3F97] =	sst lr;
	_ =	strace $0xD0000000  }
0x3: {  	_ = 	snop  }
0x4: {  	_ = 	snop  }
0x5: {  	_ = 	snop  }
0x6: {  	_ = 	snop  }
0x7: {  	_ = 	snop  }
__scs_overlays_trampoline_lowered:
0x8: {  	[smem:$0x3FA6] =	sst s0  }
0x9: {  	[smem:$0x3FA7] =	sst s1  }
0xa: {  	[smem:$0x3FA8] =	sst s2  }
0xb: {  	[smem:$0x3FA9] =	sst s3  }
0xc: {  	[smem:$0x3FAA] =	sst s4  }
0xd: {  	[smem:$0x3FAB] =	sst s5  }
0xe: {  	[smem:$0x3FAC] =	sst s6  }
0xf: {  	[smem:$0x3FAD] =	sst s7  }
0x10: {  	[smem:$0x3FAE] =	sst s8  }
0x11: {  	[smem:$0x3FAF] =	sst s9;
	s0 =	simm.s32 @!p0 $0x0  }
0x12: {  	s1 =	sld [smem:$0x3F95];
	s0 =	simm.s32 @p0 $0x1  }
0x13: {  	[smem:$0x3FB0] =	sst s0;
	s0 =	simm.s32 @!p1 $0x0  }
0x14: {  	s2 =	sld [smem:$0x3F94];
	s0 =	simm.s32 @p1 $0x1  }
0x15: {  	[smem:$0x3FB1] =	sst s0;
	s0 =	simm.s32 @!p2 $0x0  }
0x16: {  	s3 =	sld [smem:$0x3FDB];
	s0 =	simm.s32 @p2 $0x1  }
0x17: {  	s4 =	simm.s32 $0x1BF5;
	[smem:$0x3FB3] =	sst s0  }
0x18: {  	s0 =	sld [smem:$0x3F96];
	_ =	swait.ge [sflag:s4], $0x0  }
0x19: {  	s7 =	sld [smem:$0x3F97]  }
0x1a: {  	s8 =	sadd.s32 $0xFFFFE003, lr  }
0x1b: {  	s9 =	sadd.s32 $0xFFFFFEF7, lr;
	s5 =	simm.s32 $0xFFFFFFFF;
	p2 =	slt.u32 s8, $0xFFFFF086  }
0x1c: {  	p1 =	slt.u32 s9, $0xF7A;
	s5 =	simm.s32 @!p2 $0x0  }
0x1d: {  	s5 =	simm.s32 @p1 $0x1;
	p0 =	seq.s32 s7, s2  }
0x1e: {  	s7 =	smul.u32 @!p0 $0xF7A, s2;
	p2 =	seq.s32 @!p0 s5, $0x0  }
0x1f: {  	s9 =	smul.u32 $0xF7A, s1;
	s8 =	simm.s32 @!p0 $0x1BF5;
	p2 =	por !p2, p0  }
0x20: {  	[sflag:s8] =	ssyncset.s32 @!p0 $0xFFFFF086;
	s6 =	sadd.s32 @!p0 s3, s7;
	s7 =	simm.s32 @!p0 $0x108  }
0x21: {  	s3 =	sadd.s32 s3, s9;
	s6 =	sadd.s32 @!p0 $0x88, s6;
	s7 =	simm.s32 @p2 $0x1082  }
0x22: {  	[simem:s7], [sflag:s8] =	dma.local @!p0 [hbm:s6], $0xF7A  }
0x23: {  	s9 =	sor.u32 $0xD0000000, s2;
	s6 =	simm.s32 $0x108;
	_ =	swait.ge @!p0 [sflag:s8], $0x0  }
0x24: {  	s3 =	sadd.s32 $0x88, s3;
	s6 =	simm.s32 @!p1 $0x1082;
	[sflag:s4] =	ssyncset.s32 $0xFFFFF086  }
0x25: {  	[simem:s6], [sflag:s4] =	dma.local [hbm:s3], $0xF7A  }
0x26: {  	[smem:$0x3F97] =	sst s1;
	(tag) =	ssettag s2;
	_ =	strace s9  }
0x27: {  	s1 =	sld [smem:$0x3FA7]  }
0x28: {  	s2 =	sld [smem:$0x3FA8]  }
0x29: {  	s4 =	sld [smem:$0x3FAA]  }
0x2a: {  	p0 =	seq.s32 s5, $0x0;
	s5 =	sld [smem:$0x3FAB]  }
0x2b: {  	s6 =	sld [smem:$0x3FAC]  }
0x2c: {  	s7 =	sld [smem:$0x3FAD]  }
0x2d: {  	s3 =	simm.s32 $0x108;
	s8 =	sld [smem:$0x3FAE]  }
0x2e: {  	s3 =	simm.s32 @!p0 $0x1082;
	s9 =	sld [smem:$0x3FAF]  }
0x2f: {  	lr =	sadd.s32 s0, s3;
	s0 =	sld [smem:$0x3FA6]  }
0x30: {  	s3 =	sld [smem:$0x3FA9]  }
0x31: {  	[smem:$0x3FB2] =	sst s10  }
0x32: {  	s10 =	sld [smem:$0x3FB0];
	_ =	sdelay $0x3  }
0x33: {  	p0 =	seq.s32 s10, $0x1;
	s10 =	sld [smem:$0x3FB2];
	_ =	sdelay $0x3  }
0x34: {  	[smem:$0x3FB2] =	sst s10  }
0x35: {  	s10 =	sld [smem:$0x3FB1];
	_ =	sdelay $0x3  }
0x36: {  	p1 =	seq.s32 s10, $0x1;
	s10 =	sld [smem:$0x3FB2];
	_ =	sdelay $0x3  }
0x37: {  	[smem:$0x3FB2] =	sst s10  }
0x38: {  	s10 =	sld [smem:$0x3FB3]  }
0x39: {  	_ = 	snop;
	(pc) =	sbr.ind lr, $3  }
0x3a: {  	_ = 	snop  }
0x3b: {  	_ = 	snop  }
0x3c: {  	p2 =	seq.s32 s10, $0x1;
	s10 =	sld [smem:$0x3FB2]  }
0x3d: {  	_ =	shalt  }
0x3e: {  	_ =	shalt  }
0x3f: {  	_ =	shalt  }
0x40: {  	_ =	shalt  }
0x41: {  	_ =	shalt  }
0x42: {  	_ =	shalt  }
0x43: {  	_ =	shalt  }
0x44: {  	_ =	shalt  }
0x45: {  	_ =	shalt  }
0x46: {  	_ =	shalt  }
0x47: {  	_ =	shalt  }
0x48: {  	_ =	shalt  }
0x49: {  	_ =	shalt  }
0x4a: {  	_ =	shalt  }
0x4b: {  	_ =	shalt  }
0x4c: {  	_ =	shalt  }
0x4d: {  	_ =	shalt  }
0x4e: {  	_ =	shalt  }
0x4f: {  	_ =	shalt  }
0x50: {  	_ =	shalt  }
0x51: {  	_ =	shalt  }
0x52: {  	_ =	shalt  }
0x53: {  	_ =	shalt  }
0x54: {  	_ =	shalt  }
0x55: {  	_ =	shalt  }
0x56: {  	_ =	shalt  }
0x57: {  	_ =	shalt  }
0x58: {  	_ =	shalt  }
0x59: {  	_ =	shalt  }
0x5a: {  	_ =	shalt  }
0x5b: {  	_ =	shalt  }
0x5c: {  	_ =	shalt  }
0x5d: {  	_ =	shalt  }
0x5e: {  	_ =	shalt  }
0x5f: {  	_ =	shalt  }
0x60: {  	_ =	shalt  }
0x61: {  	_ =	shalt  }
0x62: {  	_ =	shalt  }
0x63: {  	_ =	shalt  }
0x64: {  	_ =	shalt  }
0x65: {  	_ =	shalt  }
0x66: {  	_ =	shalt  }
0x67: {  	_ =	shalt  }
0x68: {  	_ =	shalt  }
0x69: {  	_ =	shalt  }
0x6a: {  	_ =	shalt  }
0x6b: {  	_ =	shalt  }
0x6c: {  	_ =	shalt  }
0x6d: {  	_ =	shalt  }
0x6e: {  	_ =	shalt  }
0x6f: {  	_ =	shalt  }
0x70: {  	_ =	shalt  }
0x71: {  	_ =	shalt  }
0x72: {  	_ =	shalt  }
0x73: {  	_ =	shalt  }
0x74: {  	_ =	shalt  }
0x75: {  	_ =	shalt  }
0x76: {  	_ =	shalt  }
0x77: {  	_ =	shalt  }
0x78: {  	_ =	shalt  }
0x79: {  	_ =	shalt  }
0x7a: {  	_ =	shalt  }
0x7b: {  	_ =	shalt  }
0x7c: {  	_ =	shalt  }
0x7d: {  	_ =	shalt  }
0x7e: {  	_ =	shalt  }
0x7f: {  	_ =	shalt  }
0x80: {  	_ =	shalt  }
0x81: {  	_ =	shalt  }
0x82: {  	_ =	shalt  }
0x83: {  	_ =	shalt  }
0x84: {  	_ =	shalt  }
0x85: {  	_ =	shalt  }
0x86: {  	_ =	shalt  }
0x87: {  	_ =	shalt  }
.Lfunc_end0:
.L_simem_size_0:
called_computation.2_lowered:
.L_overlay_start_0:
0x88: {  	s2 =	sld [smem:$0x3FD9]  }
0x89: {  	s3 =	sld [smem:$0x3FFE];
	_ =	sdelay $0x1  }
0x8a: {  	s1 =	srdreg.scid  }
0x8b: {  	s0 =	sand.u32 $0x1, s1  }
0x8c: {  	s17 =	sshll.u32 s0, $0xA;
	s2 =	sadd.s32 s3, s2  }
0x8d: {  	s2 =	sadd.s32 s2, s17  }
0x8e: {  	[smem:$0x3FBE] =	sst s2  }
0x8f: {  	_ = 	snop  }
0x90: {  	s2 =	sld [smem:$0x3FD0];
	(tm) =	ssettm $0x1  }
0x91: {  	s18 =	sld [smem:$0x3FFB];
	_ =	sdelay $0x3  }
0x92: {  	_ =	strace s18  }
0x93: {  	s3 =	sld [smem:$0x3FFC];
	_ =	sdelay $0x3  }
0x94: {  	_ =	strace s3  }
0x95: {  	s3 =	sld [smem:$0x3FFD];
	_ =	sdelay $0x3  }
0x96: {  	_ =	strace s3  }
0x97: {  	_ =	strace $0x8FFFFFFF  }
0x98: {  	s19 =	sld [smem:$0x3FDB];
	_ =	sdelay $0x1  }
0x99: {  	s4 =	simm.s32 $_scs_section_size  }
0x9a: {  	s5 =	simm.s32 $_size__tile_overlayer_lowered;
	s6 =	simm.s32 $_tile_overlayer_lowered  }
0x9b: {  	s22 =	simm.s32 $0x1BFF;
	s21 =	sshll.u32 s6, $0x1;
	s3 =	sadd.s32 s4, s19  }
0x9c: {  	s7 =	simm.s32 $0x0;
	s20 =	sshll.u32 s5, $0x1;
	s5 =	sadd.s32 s21, s3  }
0x9d: {  	[timem:s7], [sflag:s22] =	dma.local [hbm:s5], s20  }
0x9e: {  	_ =	swait.ge [sflag:s22], s20  }
0x9f: {  	s4 =	ssub.s32 $0x0, s20;
	[sflag:s22] =	ssyncset.done $0x0  }
0xa0: {  	[sflag:s22] =	ssyncadd.s32 s4;
	_ =	sdelay $0x1  }
0xa1: {  	s23 =	simm.s32 $0x1B8B  }
0xa2: {  	_ =	swait.ge [sflag:s23], $0x1  }
0xa3: {  	[sflag:s23] =	ssyncset.done $0x0  }
0xa4: {  	s25 =	simm.s32 $0x1B8E;
	s24 =	sld [smem:$0x3FFE];
	[sflag:s23] =	ssyncadd.s32 $0xFFFFFFFF  }
0xa5: {  	s26 =	simm.s32 $execute0_lowered;
	[smem:$0x3FD2] =	sst s25  }
0xa6: {  	s5 =	sshll.u32 s26, $0x1;
	_ =	strace $0x8000004C;
	[dreg:$0x1] =	wrdreg $0xFFFFFFFF  }
0xa7: {  	s28 =	simm.s32 $_size_execute0_lowered;
	s3 =	sadd.s32 s3, s5;
	[dreg:$0x0] =	wrdreg $0x0  }
0xa8: {  	s5 =	sshll.u32 s28, $0x1;
	[dreg:$0x2] =	wrdreg s3  }
0xa9: {  	[dreg:$0x3] =	wrdreg s5  }
0xaa: {  	[dreg:$0x4] =	wrdreg $0xC0  }
0xab: {  	_ =	task [dreg:s7], $0x5FFFF  }
0xac: {  	[dreg:$0x1] =	wrdreg $0xFFFFFFFF  }
0xad: {  	[dreg:$0x0] =	wrdreg $0x60  }
0xae: {  	[dreg:$0x2] =	wrdreg s2  }
0xaf: {  	[dreg:$0x3] =	wrdreg s24  }
0xb0: {  	[dreg:$0x4] =	wrdreg $0x15D000  }
0xb1: {  	[dreg:$0x5] =	wrdreg $0x9  }
0xb2: {  	_ =	task.clear_ibuf [dreg:s7], $0x6FFFF;
	_ =	strace $0x9000004C  }
0xb3: {  	s29 =	simm.s32 $0x9;
	_ =	strace $0x8000004E  }
0xb4: {  	_ =	swait.ge [sflag:s29], $0x1  }
0xb5: {  	[sflag:s29] =	ssyncadd.s32 $0xFFFFFFFF  }
0xb6: {  	_ =	strace $0x9000004E  }
0xb7: {  	_ =	sfence  }
0xb8: {  	s30 =	sld [smem:$0x0];
	_ =	sdelay $0x2  }
0xb9: {  	s31 =	sshll.u32 s1, $0xD;
	s1 =	sshrl.u32 s1, $0x2  }
0xba: {  	s3 =	sand.u32 $0x4000, s31;
	s1 =	sadd.s32 s1, s30  }
0xbb: {  	s0 =	sor.u32 s3, s0;
	s1 =	sshll.u32 s1, $0x11  }
0xbc: {  	s0 =	sor.u32 s1, s0  }
0xbd: {  	s0 =	sadd.s32 $0x8F2B, s0  }
0xbe: {  	[sflag:s0] =	ssyncadd.remote.s32 $0x1  }
0xbf: {  	_ =	sfence.sel $0xFFFF  }
0xc0: {  	[dreg:$0x0] =	wrdreg $0xFFFFFFFF;
	(pc) =	sbr.abs _section_cstart, $3  }
0xc1: {  	[dreg:$0x1] =	wrdreg $0xFFFFFFFF  }
0xc2: {  	_ =	task.clear_ibuf [dreg:s7], $0x2FFFF;
	_ =	strace $0x9FFFFFFF  }
0xc3: {  	(tm) =	ssettm $0x7FFFFFFF  }
tec
execute0_lowered:
.L_overlay_start_1:
0x0: {  	(tag) =	ssettag $0x1  }
0x1: {  	s1 =	rddreg [dreg:$0x0];
	s2 =	srdreg.scid  }
0x2: {  	s0 =	stileid.u32;
	s6 =	rddreg [dreg:$0x1]  }
0x3: {  	s3 =	rddreg [dreg:$0x2];
	s4 =	simm.s32 $0x0;
	s16 =	simm.s32 $0x100  }
0x4: {  	s17 =	simm.s32 $0xDD00;
	s18 =	simm.s32 $0x180;
	s19 =	simm.s32 $0xFD00  }
0x5: {  	s20 =	simm.s32 $0x200;
	s21 =	simm.s32 $0x11D00;
	s7 =	smul.u32 $0x4E80, s0  }
0x6: {  	s22 =	simm.s32 $0x7;
	s5 =	sand.u32 $0x1, s2;
	s9 =	smul.u32 $0x9E00, s0  }
0x7: {  	s23 =	simm.s32 $0x0;
	[smem:$0x7FF] =	sst s4;
	s8 =	smul.u32 $0x4E800, s5  }
0x8: {  	s31 =	sshll.u32 s0, $0x6;
	s10 =	smul.u32 $0x9E000, s5;
	s29 =	ssub.s32 $0x2, s5  }
0x9: {  	_ =	strace $0x8000004D;
	s5 =	sadd.s32 $0x21800, s6;
	s30 =	sshrl.u32 s29, $0x1  }
0xa: {  	s13 =	sadd.s32 s9, s3;
	s8 =	sadd.s32 s7, s8;
	s7 =	sshrl.u32 s7, $0x3  }
0xb: {  	s10 =	sadd.s32 s9, s10;
	s8 =	sshrl.u32 s8, $0x3;
	s11 =	sadd.s32 s7, s6  }
0xc: {  	s28 =	sshrl.u32 s10, $0x3;
	s10 =	ssub.s32 s29, s30;
	s8 =	sadd.s32 s8, s6  }
0xd: {  	s12 =	sadd.s32 s28, s6;
	s6 =	sor.u32 $0x1C0D, s31;
	s10 =	smax.u32 s10, $0x1  }
0xe: {  	s7 =	sadd.s32 $0x4000, s8;
	s8 =	sadd.s32 $0x17A00, s11;
	s9 =	sadd.s32 $0x22C00, s12  }
0xf: {  	s11 =	sshrl.u32 s13, $0x3;
	s12 =	simm.s32 $0xD;
	s13 =	simm.s32 $0x80  }
.LBB2_1:
0x10: {  	[spmem:s11], [sflag:s6] =	dma.local [hbm:s5], $0x13C0  }
0x11: {  	_ =	swait.ge [sflag:s12], $0x13C0  }
0x12: {  	[sflag:s12] =	ssyncset.done $0x0  }
0x13: {  	[sflag:s12] =	ssyncadd.s32 $0xFFFFEC40  }
0x14: {  	[tilespmem:s4], [sflag:$0xD] =	stream.linear.gather [hbm4b:s7+s4], $0x4E80, $0x38;
	[tilespmem:$0x1FB00] =	vst v63  }
0x15: {  	_ =	swait.ge [sflag:s12], $0x4E80  }
0x16: {  	p1 =	por $0x1, $0x1;
	[sflag:s12] =	ssyncset.done $0x0  }
0x17: {  	s24 =	simm.s32 $0x4E80;
	s25 =	simm.s32 @!p1 $0xFFFFFFFF;
	[sflag:s12] =	ssyncadd.s32 $0xFFFFB180  }
0x18: {  	[tilespmem:s24], [sflag:$0xD] =	stream.linear.gather [hbm4b:s8+s4], $0x4E80, $0x38;
	[tilespmem:$0x1FB00] =	vst v63  }
0x19: {  	s25 =	sand.u32 @!p1 $0xFF, s25;
	_ =	swait.ge [sflag:s12], $0x4E80  }
0x1a: {  	s0 =	simm.s32 $0x9D00;
	s25 =	smul.u32 @!p1 $0xAB, s25;
	[sflag:s12] =	ssyncset.done $0x0  }
0x1b: {  	s14 =	simm.s32 $0xBD00;
	p0 =	por $0x0, $0x0;
	[sflag:s12] =	ssyncadd.s32 $0xFFFFB180  }
0x1c: {  	s26 =	smul.u32 @!p1 $0xAB, s4;
	s25 =	sshrl.u32 @!p1 s25, $0xA;
	[bflag:$0x0] =	sbarrier.arrive $0xFFFF  }
0x1d: {  	[tilespmem:s0], [sflag:$0x1] =	stream.indirect.gather [hbm4b:s1+s13], $0x40, s4, s13, $0xb8;
	[tilespmem:$0x1FB00] =	vst v63  }
0x1e: {  	s28 =	simm.s32 @!p0 $0x5;
	s26 =	sshrl.u32 @!p1 s26, $0xA;
	s25 =	smul.u32 @!p1 $0x6, s25  }
0x1f: {  	[tilespmem:s14], [sflag:$0x2] =	stream.indirect.gather [hbm4b:s1+s13], $0x40, s13, s13, $0xb8;
	[tilespmem:$0x1FB00] =	vst v63  }
0x20: {  	s28 =	smul.u32 @!p0 $0xAB, s28;
	s26 =	sand.u32 @!p1 $0x3F, s26;
	s25 =	ssub.s32 @!p1 $0xFFFFFFFF, s25  }
0x21: {  	[tilespmem:s17], [sflag:$0x3] =	stream.indirect.gather [hbm4b:s1+s13], $0x40, s16, s13, $0xb8;
	[tilespmem:$0x1FB00] =	vst v63  }
0x22: {  	s26 =	smul.u32 @!p1 $0x6, s26;
	s25 =	sand.u32 @!p1 $0xFF, s25  }
0x23: {  	[tilespmem:s19], [sflag:$0x4] =	stream.indirect.gather [hbm4b:s1+s13], $0x40, s18, s13, $0xb8;
	[tilespmem:$0x1FB00] =	vst v63  }
0x24: {  	s29 =	sshrl.u32 @!p0 s28, $0xA;
	s26 =	ssub.s32 @!p1 $0x0, s26;
	s25 =	sadd.s32 @!p1 $0x7, s25  }
0x25: {  	[tilespmem:s21], [sflag:$0x5] =	stream.indirect.gather [hbm4b:s1+s13], $0x40, s20, s13, $0xb8;
	[tilespmem:$0x1FB00] =	vst v63  }
0x26: {  	s28 =	simm.s32 $0x280;
	s26 =	sand.u32 @!p1 $0xFF, s26;
	_ =	swait.ge @!p1 [sflag:s25], $0x2000  }
0x27: {  	s29 =	sand.u32 @!p0 $0x3F, s29;
	s26 =	simm.s32 @p1 $0x0;
	[sflag:s25] =	ssyncset.done @!p1 $0x0  }
0x28: {  	s31 =	smul.u32 @!p0 $0x6, s29;
	s15 =	sadd.s32 $0x1, s26;
	[sflag:s25] =	ssyncadd.s32 @!p1 $0xFFFFE000  }
0x29: {  	s30 =	sshll.u32 s26, $0xD;
	s26 =	sadd.s32 $0x7, s26;
	_ =	swait.ge [sflag:s15], $0x2000  }
0x2a: {  	s29 =	sadd.s32 $0x9D00, s30;
	s30 =	ssub.s32 @!p0 $0x5, s31;
	[sflag:s15] =	ssyncset.done $0x0  }
0x2b: {  	s25 =	simm.s32 $0x4F00;
	p1 =	por $0x0, $0x0;
	[sflag:s15] =	ssyncadd.s32 $0xFFFFE000  }
0x2c: {  	[spmem:s3] =	stream.indirect.scatter.add.f32 [tilespmem:s29], [sflag:s26], $0x40, s24, s13, $0xb8;
	[tilespmem:$0x1FB00] =	vst v63  }
0x2d: {  	s26 =	simm.s32 $0x1;
	s29 =	simm.s32 $0x2;
	s24 =	simm.s32 $0x300  }
.LBB2_2:
0x2e: {  	s31 =	sadd.s32 @!p1 $0xFFFFFFFF, s26;
	s30 =	sand.u32 @!p0 $0xFF, s30;
	s2 =	simm.s32 @!p0 $0x80  }
0x2f: {  	s14 =	smul.u32 @!p1 $0xAB, s26;
	s0 =	sand.u32 @!p1 $0xFF, s31;
	s15 =	sshll.u32 @!p0 s30, $0xD  }
0x30: {  	s30 =	sadd.s32 @!p0 $0x1, s30;
	s0 =	smul.u32 @!p1 $0xAB, s0;
	s15 =	sadd.s32 @!p0 $0x9D00, s15  }
0x31: {  	[tilespmem:s15], [sflag:s30] =	stream.indirect.gather @!p0 [hbm4b:s1+s2], $0x40, s28, s2, $0xb8;
	[tilespmem:$0x1FB00] =	vst v63  }
0x32: {  	s2 =	smov.u32 s29;
	s29 =	sadd.s32 $0x1, s29;
	s0 =	sshrl.u32 @!p1 s0, $0xA  }
0x33: {  	s14 =	sshrl.u32 @!p1 s14, $0xA;
	p2 =	sne.s32 s29, $0x9D;
	s0 =	smul.u32 @!p1 $0x6, s0  }
0x34: {  	s14 =	sand.u32 @!p1 $0x3F, s14;
	s15 =	smov.u32 s25;
	s28 =	smov.u32 s24  }
0x35: {  	s14 =	smul.u32 @!p1 $0x6, s14;
	s0 =	ssub.s32 @!p1 s31, s0  }
0x36: {  	p0 =	sgt.u32 s26, $0x97;
	s25 =	sadd.s32 $0x80, s25;
	s0 =	sand.u32 @!p1 $0xFF, s0  }
0x37: {  	s30 =	sadd.s32 @!p0 $0x5, s26;
	s14 =	ssub.s32 @!p1 s26, s14;
	s0 =	sadd.s32 @!p1 $0x7, s0  }
0x38: {  	s14 =	sand.u32 @!p1 $0xFF, s14;
	s31 =	smul.u32 @!p0 $0xAB, s30;
	_ =	swait.ge @!p1 [sflag:s0], $0x2000  }
0x39: {  	s26 =	smov.u32 s2;
	s14 =	simm.s32 @p1 $0x0;
	[sflag:s0] =	ssyncset.done @!p1 $0x0  }
0x3a: {  	s2 =	sshrl.u32 @!p0 s31, $0xA;
	[sflag:s0] =	ssyncadd.s32 @!p1 $0xFFFFE000;
	s0 =	sadd.s32 $0x1, s14  }
.Ltmp0:
0x3b: {  	s2 =	sand.u32 @!p0 $0x3F, s2;
	_ =	swait.ge [sflag:s0], $0x2000;
	(pc) =	sbr.rel @p2 .LBB2_2-.Ltmp0, $4  }
0x3c: {  	s31 =	sshll.u32 s14, $0xD;
	s2 =	smul.u32 @!p0 $0x6, s2;
	[sflag:s0] =	ssyncset.done $0x0  }
0x3d: {  	s31 =	sadd.s32 $0x9D00, s31;
	[sflag:s0] =	ssyncadd.s32 $0xFFFFE000;
	s0 =	sadd.s32 $0x7, s14  }
0x3e: {  	[spmem:s3] =	stream.indirect.scatter.add.f32 [tilespmem:s31], [sflag:s0], $0x40, s15, s13, $0xb8;
	[tilespmem:$0x1FB00] =	vst v63  }
0x3f: {  	s24 =	sadd.s32 $0x80, s24;
	p1 =	seq.s32 s26, $0x0;
	s30 =	ssub.s32 @!p0 s30, s2  }
0x40: {  	s0 =	sadd.s32 @!p1 $0xFFFFFFFF, s26;
	s2 =	sand.u32 @!p0 $0xFF, s30;
	s14 =	simm.s32 @!p0 $0x80  }
0x41: {  	s29 =	smul.u32 @!p1 $0xAB, s26;
	s15 =	sand.u32 @!p1 $0xFF, s0;
	s30 =	sshll.u32 @!p0 s2, $0xD  }
0x42: {  	s2 =	sadd.s32 @!p0 $0x1, s2;
	s15 =	smul.u32 @!p1 $0xAB, s15;
	s30 =	sadd.s32 @!p0 $0x9D00, s30  }
0x43: {  	[tilespmem:s30], [sflag:s2] =	stream.indirect.gather @!p0 [hbm4b:s1+s14], $0x40, s28, s14, $0xb8;
	[tilespmem:$0x1FB00] =	vst v63  }
0x44: {  	s2 =	sshrl.u32 @!p1 s15, $0xA  }
0x45: {  	s14 =	sshrl.u32 @!p1 s29, $0xA;
	s2 =	smul.u32 @!p1 $0x6, s2  }
0x46: {  	p0 =	sgt.u32 s26, $0x97;
	s14 =	sand.u32 @!p1 $0x3F, s14  }
0x47: {  	s0 =	ssub.s32 @!p1 s0, s2;
	s2 =	smul.u32 @!p1 $0x6, s14;
	s14 =	sadd.s32 @!p0 $0x5, s26  }
0x48: {  	s0 =	sand.u32 @!p1 $0xFF, s0;
	s15 =	smul.u32 @!p0 $0xAB, s14  }
0x49: {  	s0 =	sadd.s32 @!p1 $0x7, s0;
	s2 =	ssub.s32 @!p1 s26, s2  }
0x4a: {  	_ =	swait.ge @!p1 [sflag:s0], $0x2000;
	s2 =	sand.u32 @!p1 $0xFF, s2;
	s15 =	sshrl.u32 @!p0 s15, $0xA  }
0x4b: {  	[sflag:s0] =	ssyncset.done @!p1 $0x0;
	s2 =	simm.s32 @p1 $0x0;
	s15 =	sand.u32 @!p0 $0x3F, s15  }
0x4c: {  	[sflag:s0] =	ssyncadd.s32 @!p1 $0xFFFFE000;
	s29 =	sadd.s32 $0x1, s2;
	s15 =	smul.u32 @!p0 $0x6, s15  }
0x4d: {  	s30 =	sshll.u32 s2, $0xD;
	_ =	swait.ge [sflag:s29], $0x2000  }
0x4e: {  	s31 =	sadd.s32 $0x7, s2;
	[sflag:s29] =	ssyncset.done $0x0;
	s0 =	ssub.s32 @!p0 s14, s15  }
0x4f: {  	s26 =	sadd.s32 $0x9D00, s30;
	[sflag:s29] =	ssyncadd.s32 $0xFFFFE000;
	s0 =	sand.u32 @!p0 $0xFF, s0  }
0x50: {  	[spmem:s3] =	stream.indirect.scatter.add.f32 [tilespmem:s26], [sflag:s31], $0x40, s25, s13, $0xb8;
	[tilespmem:$0x1FB00] =	vst v63  }
0x51: {  	s2 =	sshll.u32 @!p0 s0, $0xD  }
0x52: {  	s14 =	simm.s32 @!p0 $0x80;
	s0 =	sadd.s32 @!p0 $0x1, s0;
	s2 =	sadd.s32 @!p0 $0x9D00, s2  }
0x53: {  	[tilespmem:s2], [sflag:s0] =	stream.indirect.gather @!p0 [hbm4b:s1+s14], $0x40, s24, s14, $0xb8;
	[tilespmem:$0x1FB00] =	vst v63  }
0x54: {  	_ =	swait.ge [sflag:s22], $0x2000  }
0x55: {  	s23 =	sadd.s32 $0x1, s23;
	[sflag:s22] =	ssyncset.done $0x0  }
0x56: {  	p0 =	sne.s32 s23, s10;
	[sflag:s22] =	ssyncadd.s32 $0xFFFFE000  }
.Ltmp1:
0x57: {  	[bflag:$0x0] =	sbarrier.arrive $0xFFFF;
	(pc) =	sbr.rel @p0 .LBB2_1-.Ltmp1, $4  }
0x58: {  	[hbm:s9], [sflag:s6] =	dma.local [spmem:s11], $0x13C0  }
0x59: {  	_ =	swait.ge [sflag:s12], $0x13C0  }
0x5a: {  	[sflag:s12] =	ssyncset.done $0x0  }
0x5b: {  	[sflag:s12] =	ssyncadd.s32 $0xFFFFEC40  }
0x5c: {  	_ =	sfence.sel $0x180000  }
0x5d: {  	[bflag:$0x0] =	sbarrier.arrive $0xFFFF  }
0x5e: {  	_ =	strace $0x9000004D  }
0x5f: {  	s0 =	stileid.u32;
	[bflag:$0x2] =	sbarrier.arrive $0xFFFF  }
0x60: {  	p0 =	sne.s32 s0, $0x0;
	s0 =	rddreg [dreg:$0x3]  }
0x61: {  	s0 =	sadd.s32 @!p0 $0x100000, s0  }
0x62: {  	[sflag:s0] =	ssyncadd.tile.s32 @!p0 $0x1;
	_ =	shalt  }
.Lfunc_end2:
_tile_overlayer_lowered:
.L_overlay_start_2:
0x63: {  	(tag) =	ssettag $0x2  }
0x64: {  	s0 =	rddreg [dreg:$0x0];
	s2 =	stileid.u32  }
0x65: {  	s1 =	rddreg [dreg:$0x1];
	p0 =	sne.s32 s2, $0x0  }
0x66: {  	s3 =	rddreg [dreg:$0x2];
	[bflag:$0x3] =	sbarrier.arrive $0xFFFF;
	s2 =	simm.s32 @!p0 $0x1C0D  }
0x67: {  	[timem:s3], [sflag:s2] =	dma.local @!p0 [hbm:s0], s1  }
0x68: {  	s0 =	simm.s32 @!p0 $0xD  }
0x69: {  	_ =	swait.ge @!p0 [sflag:s0], s1  }
0x6a: {  	s1 =	ssub.s32 @!p0 $0x0, s1;
	[sflag:s0] =	ssyncset.done @!p0 $0x0  }
0x6b: {  	[sflag:s0] =	ssyncadd.s32 @!p0 s1  }
0x6c: {  	[bflag:$0x3] =	sbarrier.arrive $0xFFFF  }
0x6d: {  	_ =	shalt  }

// kernel: kernel.8.cloned.1.call-start
scs
__scs_entry_jumppad:
0x0: {  	(pc) =	sbr.rel $0x88, $3  }
0x1: {  	(tag) =	ssettag $0x0;
	lr =	simm.s32 $0x1  }
0x2: {  	[smem:$0x3F97] =	sst lr;
	_ =	strace $0xD0000000  }
0x3: {  	_ = 	snop  }
0x4: {  	_ = 	snop  }
0x5: {  	_ = 	snop  }
0x6: {  	_ = 	snop  }
0x7: {  	_ = 	snop  }
__scs_overlays_trampoline_lowered:
0x8: {  	[smem:$0x3FA6] =	sst s0  }
0x9: {  	[smem:$0x3FA7] =	sst s1  }
0xa: {  	[smem:$0x3FA8] =	sst s2  }
0xb: {  	[smem:$0x3FA9] =	sst s3  }
0xc: {  	[smem:$0x3FAA] =	sst s4  }
0xd: {  	[smem:$0x3FAB] =	sst s5  }
0xe: {  	[smem:$0x3FAC] =	sst s6  }
0xf: {  	[smem:$0x3FAD] =	sst s7  }
0x10: {  	[smem:$0x3FAE] =	sst s8  }
0x11: {  	[smem:$0x3FAF] =	sst s9;
	s0 =	simm.s32 @!p0 $0x0  }
0x12: {  	s1 =	sld [smem:$0x3F95];
	s0 =	simm.s32 @p0 $0x1  }
0x13: {  	[smem:$0x3FB0] =	sst s0;
	s0 =	simm.s32 @!p1 $0x0  }
0x14: {  	s2 =	sld [smem:$0x3F94];
	s0 =	simm.s32 @p1 $0x1  }
0x15: {  	[smem:$0x3FB1] =	sst s0;
	s0 =	simm.s32 @!p2 $0x0  }
0x16: {  	s3 =	sld [smem:$0x3FDB];
	s0 =	simm.s32 @p2 $0x1  }
0x17: {  	s4 =	simm.s32 $0x1BF5;
	[smem:$0x3FB3] =	sst s0  }
0x18: {  	s0 =	sld [smem:$0x3F96];
	_ =	swait.ge [sflag:s4], $0x0  }
0x19: {  	s7 =	sld [smem:$0x3F97]  }
0x1a: {  	s8 =	sadd.s32 $0xFFFFE003, lr  }
0x1b: {  	s9 =	sadd.s32 $0xFFFFFEF7, lr;
	s5 =	simm.s32 $0xFFFFFFFF;
	p2 =	slt.u32 s8, $0xFFFFF086  }
0x1c: {  	p1 =	slt.u32 s9, $0xF7A;
	s5 =	simm.s32 @!p2 $0x0  }
0x1d: {  	s5 =	simm.s32 @p1 $0x1;
	p0 =	seq.s32 s7, s2  }
0x1e: {  	s7 =	smul.u32 @!p0 $0xF7A, s2;
	p2 =	seq.s32 @!p0 s5, $0x0  }
0x1f: {  	s9 =	smul.u32 $0xF7A, s1;
	s8 =	simm.s32 @!p0 $0x1BF5;
	p2 =	por !p2, p0  }
0x20: {  	[sflag:s8] =	ssyncset.s32 @!p0 $0xFFFFF086;
	s6 =	sadd.s32 @!p0 s3, s7;
	s7 =	simm.s32 @!p0 $0x108  }
0x21: {  	s3 =	sadd.s32 s3, s9;
	s6 =	sadd.s32 @!p0 $0x88, s6;
	s7 =	simm.s32 @p2 $0x1082  }
0x22: {  	[simem:s7], [sflag:s8] =	dma.local @!p0 [hbm:s6], $0xF7A  }
0x23: {  	s9 =	sor.u32 $0xD0000000, s2;
	s6 =	simm.s32 $0x108;
	_ =	swait.ge @!p0 [sflag:s8], $0x0  }
0x24: {  	s3 =	sadd.s32 $0x88, s3;
	s6 =	simm.s32 @!p1 $0x1082;
	[sflag:s4] =	ssyncset.s32 $0xFFFFF086  }
0x25: {  	[simem:s6], [sflag:s4] =	dma.local [hbm:s3], $0xF7A  }
0x26: {  	[smem:$0x3F97] =	sst s1;
	(tag) =	ssettag s2;
	_ =	strace s9  }
0x27: {  	s1 =	sld [smem:$0x3FA7]  }
0x28: {  	s2 =	sld [smem:$0x3FA8]  }
0x29: {  	s4 =	sld [smem:$0x3FAA]  }
0x2a: {  	p0 =	seq.s32 s5, $0x0;
	s5 =	sld [smem:$0x3FAB]  }
0x2b: {  	s6 =	sld [smem:$0x3FAC]  }
0x2c: {  	s7 =	sld [smem:$0x3FAD]  }
0x2d: {  	s3 =	simm.s32 $0x108;
	s8 =	sld [smem:$0x3FAE]  }
0x2e: {  	s3 =	simm.s32 @!p0 $0x1082;
	s9 =	sld [smem:$0x3FAF]  }
0x2f: {  	lr =	sadd.s32 s0, s3;
	s0 =	sld [smem:$0x3FA6]  }
0x30: {  	s3 =	sld [smem:$0x3FA9]  }
0x31: {  	[smem:$0x3FB2] =	sst s10  }
0x32: {  	s10 =	sld [smem:$0x3FB0];
	_ =	sdelay $0x3  }
0x33: {  	p0 =	seq.s32 s10, $0x1;
	s10 =	sld [smem:$0x3FB2];
	_ =	sdelay $0x3  }
0x34: {  	[smem:$0x3FB2] =	sst s10  }
0x35: {  	s10 =	sld [smem:$0x3FB1];
	_ =	sdelay $0x3  }
0x36: {  	p1 =	seq.s32 s10, $0x1;
	s10 =	sld [smem:$0x3FB2];
	_ =	sdelay $0x3  }
0x37: {  	[smem:$0x3FB2] =	sst s10  }
0x38: {  	s10 =	sld [smem:$0x3FB3]  }
0x39: {  	_ = 	snop;
	(pc) =	sbr.ind lr, $3  }
0x3a: {  	_ = 	snop  }
0x3b: {  	_ = 	snop  }
0x3c: {  	p2 =	seq.s32 s10, $0x1;
	s10 =	sld [smem:$0x3FB2]  }
0x3d: {  	_ =	shalt  }
0x3e: {  	_ =	shalt  }
0x3f: {  	_ =	shalt  }
0x40: {  	_ =	shalt  }
0x41: {  	_ =	shalt  }
0x42: {  	_ =	shalt  }
0x43: {  	_ =	shalt  }
0x44: {  	_ =	shalt  }
0x45: {  	_ =	shalt  }
0x46: {  	_ =	shalt  }
0x47: {  	_ =	shalt  }
0x48: {  	_ =	shalt  }
0x49: {  	_ =	shalt  }
0x4a: {  	_ =	shalt  }
0x4b: {  	_ =	shalt  }
0x4c: {  	_ =	shalt  }
0x4d: {  	_ =	shalt  }
0x4e: {  	_ =	shalt  }
0x4f: {  	_ =	shalt  }
0x50: {  	_ =	shalt  }
0x51: {  	_ =	shalt  }
0x52: {  	_ =	shalt  }
0x53: {  	_ =	shalt  }
0x54: {  	_ =	shalt  }
0x55: {  	_ =	shalt  }
0x56: {  	_ =	shalt  }
0x57: {  	_ =	shalt  }
0x58: {  	_ =	shalt  }
0x59: {  	_ =	shalt  }
0x5a: {  	_ =	shalt  }
0x5b: {  	_ =	shalt  }
0x5c: {  	_ =	shalt  }
0x5d: {  	_ =	shalt  }
0x5e: {  	_ =	shalt  }
0x5f: {  	_ =	shalt  }
0x60: {  	_ =	shalt  }
0x61: {  	_ =	shalt  }
0x62: {  	_ =	shalt  }
0x63: {  	_ =	shalt  }
0x64: {  	_ =	shalt  }
0x65: {  	_ =	shalt  }
0x66: {  	_ =	shalt  }
0x67: {  	_ =	shalt  }
0x68: {  	_ =	shalt  }
0x69: {  	_ =	shalt  }
0x6a: {  	_ =	shalt  }
0x6b: {  	_ =	shalt  }
0x6c: {  	_ =	shalt  }
0x6d: {  	_ =	shalt  }
0x6e: {  	_ =	shalt  }
0x6f: {  	_ =	shalt  }
0x70: {  	_ =	shalt  }
0x71: {  	_ =	shalt  }
0x72: {  	_ =	shalt  }
0x73: {  	_ =	shalt  }
0x74: {  	_ =	shalt  }
0x75: {  	_ =	shalt  }
0x76: {  	_ =	shalt  }
0x77: {  	_ =	shalt  }
0x78: {  	_ =	shalt  }
0x79: {  	_ =	shalt  }
0x7a: {  	_ =	shalt  }
0x7b: {  	_ =	shalt  }
0x7c: {  	_ =	shalt  }
0x7d: {  	_ =	shalt  }
0x7e: {  	_ =	shalt  }
0x7f: {  	_ =	shalt  }
0x80: {  	_ =	shalt  }
0x81: {  	_ =	shalt  }
0x82: {  	_ =	shalt  }
0x83: {  	_ =	shalt  }
0x84: {  	_ =	shalt  }
0x85: {  	_ =	shalt  }
0x86: {  	_ =	shalt  }
0x87: {  	_ =	shalt  }
.Lfunc_end0:
.L_simem_size_0:
called_computation_lowered:
.L_overlay_start_0:
0x88: {  	s2 =	sld [smem:$0x3FD9]  }
0x89: {  	s3 =	sld [smem:$0x3FFE];
	_ =	sdelay $0x1  }
0x8a: {  	s1 =	srdreg.scid  }
0x8b: {  	s0 =	sand.u32 $0x1, s1  }
0x8c: {  	s17 =	sshll.u32 s0, $0xA;
	s2 =	sadd.s32 s3, s2  }
0x8d: {  	s2 =	sadd.s32 s2, s17  }
0x8e: {  	[smem:$0x3FBE] =	sst s2  }
0x8f: {  	_ = 	snop  }
0x90: {  	s2 =	sld [smem:$0x3FD0];
	(tm) =	ssettm $0x1  }
0x91: {  	s18 =	sld [smem:$0x3FFB];
	_ =	sdelay $0x3  }
0x92: {  	_ =	strace s18  }
0x93: {  	s3 =	sld [smem:$0x3FFC];
	_ =	sdelay $0x3  }
0x94: {  	_ =	strace s3  }
0x95: {  	s3 =	sld [smem:$0x3FFD];
	_ =	sdelay $0x3  }
0x96: {  	_ =	strace s3  }
0x97: {  	_ =	strace $0x8FFFFFFF  }
0x98: {  	s19 =	sld [smem:$0x3FDB];
	_ =	sdelay $0x1  }
0x99: {  	s4 =	simm.s32 $_scs_section_size  }
0x9a: {  	s5 =	simm.s32 $_size__tile_overlayer_lowered;
	s6 =	simm.s32 $_tile_overlayer_lowered  }
0x9b: {  	s22 =	simm.s32 $0x1BFF;
	s21 =	sshll.u32 s6, $0x1;
	s3 =	sadd.s32 s4, s19  }
0x9c: {  	s7 =	simm.s32 $0x0;
	s20 =	sshll.u32 s5, $0x1;
	s5 =	sadd.s32 s21, s3  }
0x9d: {  	[timem:s7], [sflag:s22] =	dma.local [hbm:s5], s20  }
0x9e: {  	_ =	swait.ge [sflag:s22], s20  }
0x9f: {  	s4 =	ssub.s32 $0x0, s20;
	[sflag:s22] =	ssyncset.done $0x0  }
0xa0: {  	[sflag:s22] =	ssyncadd.s32 s4;
	_ =	sdelay $0x1  }
0xa1: {  	s23 =	simm.s32 $0x1B8B  }
0xa2: {  	_ =	swait.ge [sflag:s23], $0x1  }
0xa3: {  	[sflag:s23] =	ssyncset.done $0x0  }
0xa4: {  	s25 =	simm.s32 $0x1B8E;
	s24 =	sld [smem:$0x3FFE];
	[sflag:s23] =	ssyncadd.s32 $0xFFFFFFFF  }
0xa5: {  	s26 =	simm.s32 $execute0_lowered;
	[smem:$0x3FD2] =	sst s25  }
0xa6: {  	s5 =	sshll.u32 s26, $0x1;
	_ =	strace $0x80000046;
	[dreg:$0x1] =	wrdreg $0xFFFFFFFF  }
0xa7: {  	s28 =	simm.s32 $_size_execute0_lowered;
	s3 =	sadd.s32 s3, s5;
	[dreg:$0x0] =	wrdreg $0x0  }
0xa8: {  	s5 =	sshll.u32 s28, $0x1;
	[dreg:$0x2] =	wrdreg s3  }
0xa9: {  	[dreg:$0x3] =	wrdreg s5  }
0xaa: {  	[dreg:$0x4] =	wrdreg $0xC0  }
0xab: {  	_ =	task [dreg:s7], $0x5FFFF  }
0xac: {  	[dreg:$0x1] =	wrdreg $0xFFFFFFFF  }
0xad: {  	[dreg:$0x0] =	wrdreg $0x60  }
0xae: {  	[dreg:$0x2] =	wrdreg s2  }
0xaf: {  	[dreg:$0x3] =	wrdreg s24  }
0xb0: {  	[dreg:$0x4] =	wrdreg $0x28800  }
0xb1: {  	[dreg:$0x5] =	wrdreg $0x9  }
0xb2: {  	_ =	task.clear_ibuf [dreg:s7], $0x6FFFF;
	_ =	strace $0x90000046  }
0xb3: {  	s29 =	simm.s32 $0x9;
	_ =	strace $0x80000048  }
0xb4: {  	_ =	swait.ge [sflag:s29], $0x1  }
0xb5: {  	[sflag:s29] =	ssyncadd.s32 $0xFFFFFFFF  }
0xb6: {  	_ =	strace $0x90000048  }
0xb7: {  	_ =	sfence  }
0xb8: {  	s30 =	sld [smem:$0x0];
	_ =	sdelay $0x2  }
0xb9: {  	s31 =	sshll.u32 s1, $0xD;
	s1 =	sshrl.u32 s1, $0x2  }
0xba: {  	s3 =	sand.u32 $0x4000, s31;
	s1 =	sadd.s32 s1, s30  }
0xbb: {  	s0 =	sor.u32 s3, s0;
	s1 =	sshll.u32 s1, $0x11  }
0xbc: {  	s0 =	sor.u32 s1, s0  }
0xbd: {  	s0 =	sadd.s32 $0x8F2B, s0  }
0xbe: {  	[sflag:s0] =	ssyncadd.remote.s32 $0x1  }
0xbf: {  	_ =	sfence.sel $0xFFFF  }
0xc0: {  	[dreg:$0x0] =	wrdreg $0xFFFFFFFF;
	(pc) =	sbr.abs _section_cstart, $3  }
0xc1: {  	[dreg:$0x1] =	wrdreg $0xFFFFFFFF  }
0xc2: {  	_ =	task.clear_ibuf [dreg:s7], $0x2FFFF;
	_ =	strace $0x9FFFFFFF  }
0xc3: {  	(tm) =	ssettm $0x7FFFFFFF  }
tec
execute0_lowered:
.L_overlay_start_1:
0x0: {  	(tag) =	ssettag $0x1  }
0x1: {  	s6 =	rddreg [dreg:$0x0]  }
0x2: {  	s5 =	rddreg [dreg:$0x1]  }
0x3: {  	s2 =	rddreg [dreg:$0x2]  }
0x4: {  	s0 =	rddreg [dreg:$0x3]  }
0x5: {  	s4 =	srdreg.scid;
	s1 =	stileid.u32;
	s3 =	simm.s32 $0x0  }
0x6: {  	s12 =	simm.s32 $0x2800;
	s13 =	simm.s32 $0x20;
	s14 =	simm.s32 $0x10  }
0x7: {  	s15 =	simm.s32 $0x0;
	s7 =	sand.u32 $0x1, s4;
	s26 =	smul.u32 $0x500, s1  }
0x8: {  	[smem:$0x7FF] =	sst s3;
	s4 =	sadd.s32 $0x3400, s5;
	s9 =	sshll.u32 s1, $0x1  }
0x9: {  	s11 =	smul.u32 $0xA00, s1;
	s31 =	sshll.u32 s1, $0x6;
	s8 =	sshll.u32 s7, $0x7  }
0xa: {  	_ =	strace $0x80000047;
	s10 =	ssub.s32 $0x2, s7;
	s7 =	sor.u32 s7, s9  }
0xb: {  	s8 =	sor.u32 s8, s26;
	s28 =	sshrl.u32 s10, $0x1;
	s7 =	smul.u32 $0x500, s7  }
0xc: {  	s30 =	sshrl.u32 s11, $0x2;
	s8 =	sshrl.u32 s8, $0x3;
	s29 =	ssub.s32 s10, s28  }
0xd: {  	s11 =	sadd.s32 s30, s2;
	s10 =	simm.s32 $0x1;
	s8 =	sadd.s32 s8, s5  }
0xe: {  	s5 =	sor.u32 $0x1C01, s31;
	s6 =	sadd.s32 s6, s7;
	s9 =	sshrl.u32 s11, $0x3  }
0xf: {  	v0 =	vimm.f32 $1.000000000e+00;
	s11 =	simm.s32 $0x80;
	s7 =	sadd.s32 $0x3600, s8;
	s8 =	smax.u32 s29, $0x1  }
.LBB2_1:
0x10: {  	[spmem:s9], [sflag:s5] =	dma.local [hbm:s4], $0x50  }
0x11: {  	_ =	swait.ge [sflag:s10], $0x50  }
0x12: {  	[sflag:s10] =	ssyncset.done $0x0  }
0x13: {  	[sflag:s10] =	ssyncadd.s32 $0xFFFFFFB0  }
0x14: {  	[tilespmem:$0x2800] =	vst v0  }
0x15: {  	[tilespmem:$0x2810] =	vst v0  }
0x16: {  	[tilespmem:$0x2820] =	vst v0  }
0x17: {  	[tilespmem:$0x2830] =	vst v0  }
0x18: {  	[tilespmem:$0x2840] =	vst v0  }
0x19: {  	[tilespmem:$0x2850] =	vst v0  }
0x1a: {  	[tilespmem:$0x2860] =	vst v0  }
0x1b: {  	[tilespmem:$0x2870] =	vst v0  }
0x1c: {  	[tilespmem:s3], [sflag:$0x1] =	stream.linear.gather [hbm4b:s6+s3], $0x2780, $0x38;
	[tilespmem:$0x2B00] =	vst v63  }
0x1d: {  	_ =	swait.ge [sflag:s10], $0x2780  }
0x1e: {  	[sflag:s10] =	ssyncset.done $0x0  }
0x1f: {  	[sflag:s10] =	ssyncadd.s32 $0xFFFFD880  }
0x20: {  	s16 =	simm.s32 $0x0;
	[bflag:$0x0] =	sbarrier.arrive $0xFFFF  }
0x21: {  	[spmem:s2] =	stream.indirect.scatter.add.f32 [tilespmem:s12], [sflag:$0x1], $0x1, s16, s11, $0xb8;
	[tilespmem:$0x2B00] =	vst v63  }
0x22: {  	_ =	swait.ge [sflag:s10], $0x80  }
0x23: {  	s16 =	simm.s32 $0x200;
	[sflag:s10] =	ssyncset.done $0x0  }
.LBB2_2:
0x24: {  	s17 =	sshra.s32 s16, $0x2;
	[sflag:s10] =	ssyncadd.s32 $0xFFFFFF80;
	p0 =	sne.s32 s16, $0x9C00  }
0x25: {  	[spmem:s2] =	stream.indirect.scatter.add.f32 [tilespmem:s12], [sflag:$0x1], $0x1, s17, s11, $0xb8;
	[tilespmem:$0x2B00] =	vst v63  }
.Ltmp0:
0x26: {  	_ = 	snop;
	(pc) =	sbr.rel @p0 .LBB2_2-.Ltmp0, $4  }
0x27: {  	_ = 	snop  }
0x28: {  	s16 =	sadd.s32 $0x200, s16  }
0x29: {  	_ =	swait.ge [sflag:s10], $0x80  }
0x2a: {  	[sflag:s10] =	ssyncset.done $0x0  }
0x2b: {  	s15 =	sadd.s32 $0x1, s15  }
0x2c: {  	[sflag:s10] =	ssyncadd.s32 $0xFFFFFF80;
	p0 =	sne.s32 s15, s8  }
.Ltmp1:
0x2d: {  	[bflag:$0x0] =	sbarrier.arrive $0xFFFF;
	(pc) =	sbr.rel @p0 .LBB2_1-.Ltmp1, $4  }
0x2e: {  	[hbm:s7@s13], [sflag:s5] =	dma.strided [spmem:s9@s14], $0x50, s10, $0x10   }
0x2f: {  	_ =	swait.ge [sflag:s10], $0x50  }
0x30: {  	[sflag:s10] =	ssyncset.done $0x0  }
0x31: {  	[sflag:s10] =	ssyncadd.s32 $0xFFFFFFB0  }
0x32: {  	_ =	sfence.sel $0x180000  }
0x33: {  	[bflag:$0x0] =	sbarrier.arrive $0xFFFF  }
0x34: {  	p0 =	sne.s32 s1, $0x0;
	_ =	strace $0x90000047  }
0x35: {  	s0 =	sadd.s32 @!p0 $0x100000, s0;
	[bflag:$0x2] =	sbarrier.arrive $0xFFFF  }
0x36: {  	[sflag:s0] =	ssyncadd.tile.s32 @!p0 $0x1;
	_ =	shalt  }
.Lfunc_end2:
_tile_overlayer_lowered:
.L_overlay_start_2:
0x37: {  	(tag) =	ssettag $0x2  }
0x38: {  	s0 =	rddreg [dreg:$0x0];
	s2 =	stileid.u32  }
0x39: {  	s1 =	rddreg [dreg:$0x1];
	p0 =	sne.s32 s2, $0x0  }
0x3a: {  	s3 =	rddreg [dreg:$0x2];
	[bflag:$0x3] =	sbarrier.arrive $0xFFFF;
	s2 =	simm.s32 @!p0 $0x1C01  }
0x3b: {  	[timem:s3], [sflag:s2] =	dma.local @!p0 [hbm:s0], s1  }
0x3c: {  	s0 =	simm.s32 @!p0 $0x1  }
0x3d: {  	_ =	swait.ge @!p0 [sflag:s0], s1  }
0x3e: {  	s1 =	ssub.s32 @!p0 $0x0, s1;
	[sflag:s0] =	ssyncset.done @!p0 $0x0  }
0x3f: {  	[sflag:s0] =	ssyncadd.s32 @!p0 s1  }
0x40: {  	[bflag:$0x3] =	sbarrier.arrive $0xFFFF  }
0x41: {  	_ =	shalt  }

</sc_bundles>
